<compile_context>
chip_gen: v7x
topology: tpu7x:2x2x1
jax: 0.10.2.dev20260603
libtpu: 0.0.44.dev20260713+nightly
codegen_flags: <defaults>
</compile_context>

<pallas_src>
import functools
import math

import jax
import jax.numpy as jnp
from jax import lax
from jax.experimental import pallas as pl
from jax.experimental.pallas import tpu as pltpu
from jax.experimental.pallas import tpu_sc as plsc

B, J, O, M = 128, 40, 25, 64
D = 256
SCALE = 100.0
JO = J * O
OP = 32
JOP = J * OP
P = 64
C_AVG, C_NEL, C_RDY = 61, 62, 63
NB = 4
R = NB * JOP


_SC_CORES = 2
_SC_SUBCORES = 16
_NW = _SC_CORES * _SC_SUBCORES
_BPW = B // _NW


_JC = 8


def _edge_sc_kernel(pt_hbm, out_hbm, buf_in, buf_out):
    wid = lax.axis_index("s") * _SC_CORES + lax.axis_index("c")

    def body_b(t, carry):
        b = wid * _BPW + t

        def body_c(c, c1):
            j0 = pl.multiple_of(c * _JC, _JC)
            pltpu.sync_copy(pt_hbm.at[b, pl.ds(j0, _JC)], buf_in)

            def body_r(r, c2):
                for jj in range(_JC):
                    for k in range(M // 16):
                        sl = pl.ds(k * 16, 16)
                        buf_out[jj * O + r, sl] = buf_in[jj, r, sl] * (1.0 / SCALE)
                return c2
            lax.fori_loop(0, O, body_r, 0, unroll=False)
            row0 = pl.multiple_of(c * (_JC * O), 8)
            pltpu.sync_copy(buf_out, out_hbm.at[b, pl.ds(row0, _JC * O), :])
            return c1
        lax.fori_loop(0, J // _JC, body_c, 0, unroll=False)
        return carry

    lax.fori_loop(0, _BPW, body_b, 0, unroll=False)


_edge_sc = functools.partial(
    pl.kernel,
    mesh=plsc.VectorSubcoreMesh(core_axis_name="c", subcore_axis_name="s"),
    out_type=jax.ShapeDtypeStruct((B, JO, M), jnp.float32),
    scratch_types=[pltpu.VMEM((_JC, O, M), jnp.float32),
                   pltpu.VMEM((_JC * O, M), jnp.float32)],
)(_edge_sc_kernel)


def _fused_kernel(pt_ref, no_ref, tjr_ref, jd_ref, tmr_ref, rem_ref,
                  wops_ref, wma_ref, ops_ref, ma_ref, tab_ref, j1h_ref):
    f32 = jnp.float32
    b = pl.program_id(0)

    @pl.when(b == 0)
    def _init():
        p_i = lax.broadcasted_iota(jnp.int32, (P, D), 0)
        d_i = lax.broadcasted_iota(jnp.int32, (P, D), 1)
        d_par = (d_i & 1).astype(f32)
        d_even = (d_i - (d_i & 1)).astype(f32)
        ang = (p_i.astype(f32) * jnp.exp(d_even * (-math.log(10000.0) / D))
               + d_par * (math.pi / 2.0))
        pe = jnp.sin(ang)
        w = wops_ref[...]
        pe = jnp.where(p_i == C_AVG, w[0:1, :], pe)
        pe = jnp.where(p_i == C_NEL, w[1:2, :], pe)
        pe = jnp.where(p_i == C_RDY, w[2:3, :], pe)
        tab_ref[...] = pe
        r1 = lax.broadcasted_iota(jnp.int32, (JOP, 1), 0)
        j1h_ref[...] = (lax.broadcasted_iota(jnp.int32, (JOP, J), 1)
                        == (r1 >> 5)).astype(f32)

    pt = pt_ref[...]

    pt2 = jnp.concatenate(
        [pt, jnp.zeros((NB, J, OP - O, M), f32)], axis=2).reshape(R, M)
    pos_mask = (pt2 > 0.0).astype(f32)
    ones_avg = jnp.full((M, 1), 1.0 / (M * SCALE), f32)
    ones_nel = jnp.full((M, 1), 1.0 / M, f32)
    avg = jnp.dot(pt2, ones_avg, preferred_element_type=f32)
    nelig = jnp.dot(pos_mask, ones_nel, preferred_element_type=f32)

    r = lax.broadcasted_iota(jnp.int32, (R, 1), 0)
    o_row = (r & (OP - 1)).astype(f32)
    j1h = j1h_ref[...]
    nr_parts = []
    for n in range(NB):
        no_n = no_ref[pl.ds(b * NB + n, 1), :]
        tjr_n = tjr_ref[pl.ds(b * NB + n, 1), :]
        jd_n = jd_ref[pl.ds(b * NB + n, 1), :]
        sched_n = jnp.where(jd_n > 0.0, 0.0, tjr_n - jnp.min(tjr_n))
        nr_parts.append(lax.dot_general(
            j1h, jnp.concatenate([no_n, sched_n], axis=0),
            (((1,), (1,)), ((), ())), preferred_element_type=f32))
    nr = jnp.concatenate(nr_parts, axis=0)
    no_r = nr[:, 0:1]
    sched_r = nr[:, 1:2]
    opready = jnp.where(o_row == no_r, sched_r, 0.0) * (1.0 / SCALE)

    pos = o_row + no_r
    l_i = lax.broadcasted_iota(jnp.int32, (R, P), 1)
    g = jnp.where(l_i == C_AVG, avg,
                  jnp.where(l_i == C_NEL, nelig,
                            jnp.where(l_i == C_RDY, opready,
                                      (pos == l_i.astype(f32)).astype(f32))))
    ops32 = jnp.dot(g, tab_ref[...], preferred_element_type=f32)
    ops_ref[...] = ops32.reshape(NB * J, OP, D)[:, :O, :] \
        .reshape(NB, J, O, D)

    nem = jnp.sum(pos_mask.reshape(NB, JOP, M), axis=1)
    for n in range(NB):
        tmr_n = tmr_ref[pl.ds(b * NB + n, 1), :]
        a_ma_n = (tmr_n - jnp.min(tmr_n)) * (1.0 / SCALE)
        rem_n = jnp.sum(rem_ref[pl.ds(b * NB + n, 1), :])
        frac_n = nem[n:n + 1, :] * (1.0 / (rem_n + 1e-6))
        mam = jnp.concatenate([a_ma_n, frac_n], axis=0)
        ma_ref[n] = lax.dot_general(mam, wma_ref[...],
                                    (((0,), (0,)), ((), ())),
                                    preferred_element_type=f32)


@functools.partial(jax.jit, static_argnames=())
def kernel(proc_times, next_op, time_job_ready, job_done, time_ma_ready,
           pad_mask, op_scheduled, W_ops, W_ma):
    f32 = jnp.float32
    no_f = next_op.astype(f32)
    jd_f = job_done.astype(f32)
    rem_f = jnp.logical_not(jnp.logical_or(pad_mask, op_scheduled)) \
        .astype(f32).reshape(B, JO)
    wopsT = W_ops.T
    wmaT = W_ma.T

    full = lambda shape: pl.BlockSpec(shape, lambda b: (0,) * len(shape))

    edge = _edge_sc(proc_times)

    ops, ma = pl.pallas_call(
        _fused_kernel,
        grid=(B // NB,),
        in_specs=[
            pl.BlockSpec((NB, J, O, M), lambda b: (b, 0, 0, 0)),
            full((B, J)),
            full((B, J)),
            full((B, J)),
            full((B, M)),
            full((B, JO)),
            full((3, D)),
            full((2, D)),
        ],
        out_specs=[
            pl.BlockSpec((NB, J, O, D), lambda b: (b, 0, 0, 0)),
            pl.BlockSpec((NB, M, D), lambda b: (b, 0, 0)),
        ],
        out_shape=[
            jax.ShapeDtypeStruct((B, J, O, D), f32),
            jax.ShapeDtypeStruct((B, M, D), f32),
        ],
        scratch_shapes=[
            pltpu.VMEM((P, D), f32),
            pltpu.VMEM((JOP, J), f32),
        ],
    )(proc_times, no_f, time_job_ready, jd_f, time_ma_ready, rem_f, wopsT, wmaT)

    return ops, ma, edge

# --- scband reference (transcript-rebuilt; emitter-appended) ---
"""Pipeline reference for scband-fjspinit-embedding-55181739819140 (READ-ONLY COPY).

The authoritative reference and input builder live on the scoring server;
editing this copy changes nothing except your own understanding.
"""

import jax, jax.numpy as jnp
import numpy as np

B, J, O, M = 128, 40, 25, 64
D = 256
SCALE = 100.0


def _pe(pos, d):
    # sinusoidal positional encoding evaluated at (possibly offset) float positions
    half = d // 2
    i = jnp.arange(half)
    div = jnp.exp(-(jnp.log(10000.0) / d) * (2.0 * i))
    ang = pos[..., None] * div  # [..., d/2]
    pe = jnp.stack([jnp.sin(ang), jnp.cos(ang)], axis=-1)  # interleave sin/cos
    return pe.reshape(pos.shape + (d,))


def setup_inputs(seed: int = 0) -> dict:
    key = jax.random.key(seed)
    ks = jax.random.split(key, 8)
    proc_times = jax.random.uniform(ks[0], (B, J, O, M), dtype=jnp.float32) * SCALE
    elig_mask = jax.random.uniform(ks[1], (B, J, O, M)) > 0.5  # ~half the machines eligible per op
    proc_times = proc_times * elig_mask
    next_op = jax.random.randint(ks[2], (B, J), 0, O)
    time_job_ready = jax.random.uniform(ks[3], (B, J), dtype=jnp.float32) * SCALE
    job_done = jnp.zeros((B, J), dtype=bool)
    time_ma_ready = jax.random.uniform(ks[4], (B, M), dtype=jnp.float32) * SCALE
    pad_mask = jnp.zeros((B, J, O), dtype=bool)
    op_scheduled = jnp.zeros((B, J, O), dtype=bool)
    W_ops = jax.random.normal(ks[5], (D, 3), dtype=jnp.float32) * 0.1  # nn.Linear(3, D, bias=False)
    W_ma = jax.random.normal(ks[6], (D, 2), dtype=jnp.float32) * 0.1   # nn.Linear(2, D, bias=False)
    return {
        'proc_times': proc_times,
        'next_op': next_op,
        'time_job_ready': time_job_ready,
        'job_done': job_done,
        'time_ma_ready': time_ma_ready,
        'pad_mask': pad_mask,
        'op_scheduled': op_scheduled,
        'W_ops': W_ops,
        'W_ma': W_ma,
    }


def reference(proc_times, next_op, time_job_ready, job_done, time_ma_ready, pad_mask, op_scheduled, W_ops, W_ma):
    B_, J_, O_, M_ = proc_times.shape
    D_ = W_ops.shape[0]
    # ---- op features ----
    avg_proc = proc_times.mean(-1)                                   # [B,J,O]
    num_elig = (proc_times > 0).sum(-1).astype(jnp.float32)          # [B,J,O]
    sched = time_job_ready - time_job_ready.min(axis=1, keepdims=True)
    sched = jnp.where(job_done, 0.0, sched)                          # [B,J]
    op_ready = jnp.zeros_like(avg_proc)
    bi = jnp.arange(B_)[:, None]
    ji = jnp.arange(J_)[None, :]
    # scatter_add along op axis at next_op (torch scatter_add_ with index [B,J,1])
    op_ready = op_ready.at[bi, ji, next_op].add(sched)
    feats = jnp.stack([avg_proc / SCALE, num_elig / M_, op_ready / SCALE], axis=-1)  # [B,J,O,3]
    ops_emb = feats @ W_ops.T                                        # [B,J,O,D]
    pos = (jnp.arange(O_)[None, None, :] + next_op[:, :, None]).astype(jnp.float32)
    ops_emb = ops_emb + _pe(pos, D_)  # PositionalEncodingWithOffset (dropout=0, eval)
    # ---- machine features ----
    a_shift = time_ma_ready - time_ma_ready.min(axis=1, keepdims=True)            # [B,M]
    num_elig_ma = (proc_times > 0).sum(axis=(1, 2)).astype(jnp.float32)           # [B,M]
    num_rem = jnp.logical_not(jnp.logical_or(pad_mask, op_scheduled)).sum(axis=(1, 2)).astype(jnp.float32)  # [B]
    ma_feats = jnp.stack([a_shift / SCALE, num_elig_ma / (num_rem[:, None] + 1e-6)], axis=-1)  # [B,M,2]
    ma_emb = ma_feats @ W_ma.T                                       # [B,M,D]
    # ---- edge embedding ----
    edge_emb = proc_times.reshape(B_, J_ * O_, M_) / SCALE           # [B,J*O,M]
    return (ops_emb, ma_emb, edge_emb)

if __name__ == "__main__":
    import jax
    _d = setup_inputs()
    print(jax.jit(kernel)(*tuple(_d.values())))

</pallas_src>

<mosaic_0001>
#map = affine_map<(d0, d1) -> (0, 0, 0, 0)>
#map1 = affine_map<(d0, d1) -> (0, 0, 0)>
module attributes {stable_mosaic.version = 14 : i64} {
  func.func @_edge_sc_kernel(%arg0: i32, %arg1: i32, %arg2: memref<128x40x25x64xf32, #tpu.memory_space<hbm>>, %arg3: memref<128x1000x64xf32, #tpu.memory_space<hbm>>, %arg4: memref<8x25x64xf32, #tpu.memory_space<vmem>>, %arg5: memref<200x64xf32, #tpu.memory_space<vmem>>) attributes {dimension_semantics = [#tpu.dimension_semantics<core_parallel>, #tpu.dimension_semantics<subcore_parallel>], iteration_bounds = array<i64: 2, 16>, scalar_prefetch = 0 : i64, scratch_operands = 2 : i64, tpu.core_type = #tpu.core_type<sc_vector_subcore>, window_params = [{transform_indices = #map}, {transform_indices = #map1}]} {
    %mul3A = arith.constant 2 : i32
    %mul3A_0 = arith.muli %arg1, %mul3A : i32
    %add3A = arith.addi %mul3A_0, %arg0 : i32
    %scan3A = arith.constant 0 : i32
    %scan3A_1 = arith.constant 0 : i32
    %scan3A_2 = arith.constant 4 : i32
    %scan3A_3 = arith.addi %scan3A_1, %scan3A_2 : i32
    %scan3A_4 = arith.constant 1 : i32
    scf.for %scan3A_6 = %scan3A_1 to %scan3A_3 step %scan3A_4  : i32 {
      %mul3A_7 = arith.constant 4 : i32
      %mul3A_8 = arith.muli %add3A, %mul3A_7 : i32
      %add3A_9 = arith.addi %mul3A_8, %scan3A_6 : i32
      %scan3A_10 = arith.constant 0 : i32
      %scan3A_11 = arith.constant 0 : i32
      %scan3A_12 = arith.constant 5 : i32
      %scan3A_13 = arith.addi %scan3A_11, %scan3A_12 : i32
      %scan3A_14 = arith.constant 1 : i32
      scf.for %scan3A_16 = %scan3A_11 to %scan3A_13 step %scan3A_14  : i32 {
        %mul3A_17 = arith.constant 8 : i32
        %mul3A_18 = arith.muli %scan3A_16, %mul3A_17 : i32
        %multiple_of3A = tpu.assume_multiple %mul3A_18, 8 : i32
        "tpu.region"() ({
          %run_scoped3A = tpu.sem_alloc : memref<!tpu.dma_semaphore, #tpu.memory_space<semaphore_mem>>
          %dma_start3A = arith.constant 0 : i32
          %dma_start3A_28 = arith.constant 0 : i32
          %dma_start3A_29 = tpu.memref_slice %arg2[%add3A_9, %multiple_of3A, %dma_start3A, %dma_start3A_28] : memref<128x40x25x64xf32, #tpu.memory_space<hbm>> -> memref<1x8x25x64xf32, #tpu.memory_space<hbm>>
          %dma_start3A_30 = tpu.memref_squeeze %dma_start3A_29 : memref<1x8x25x64xf32, #tpu.memory_space<hbm>> -> memref<8x25x64xf32, #tpu.memory_space<hbm>>
          %dma_start3A_31 = arith.constant 0 : i32
          %dma_start3A_32 = arith.constant 0 : i32
          %dma_start3A_33 = tpu.memref_slice %arg2[%add3A_9, %multiple_of3A, %dma_start3A_31, %dma_start3A_32] : memref<128x40x25x64xf32, #tpu.memory_space<hbm>> -> memref<1x8x25x64xf32, #tpu.memory_space<hbm>>
          %dma_start3A_34 = tpu.memref_squeeze %dma_start3A_33 : memref<1x8x25x64xf32, #tpu.memory_space<hbm>> -> memref<8x25x64xf32, #tpu.memory_space<hbm>>
          tpu.enqueue_dma source(%dma_start3A_34 : memref<8x25x64xf32, #tpu.memory_space<hbm>>) target(%arg4 : memref<8x25x64xf32, #tpu.memory_space<vmem>>) target_semaphore(%run_scoped3A : memref<!tpu.dma_semaphore, #tpu.memory_space<semaphore_mem>>)
          %dma_wait3A = arith.constant 0 : i32
          %dma_wait3A_35 = arith.constant 0 : i32
          %dma_wait3A_36 = tpu.memref_slice %arg2[%add3A_9, %multiple_of3A, %dma_wait3A, %dma_wait3A_35] : memref<128x40x25x64xf32, #tpu.memory_space<hbm>> -> memref<1x8x25x64xf32, #tpu.memory_space<hbm>>
          %dma_wait3A_37 = tpu.memref_squeeze %dma_wait3A_36 : memref<1x8x25x64xf32, #tpu.memory_space<hbm>> -> memref<8x25x64xf32, #tpu.memory_space<hbm>>
          %dma_wait3A_38 = arith.constant 0 : i32
          %dma_wait3A_39 = arith.constant 0 : i32
          %dma_wait3A_40 = tpu.memref_slice %arg2[%add3A_9, %multiple_of3A, %dma_wait3A_38, %dma_wait3A_39] : memref<128x40x25x64xf32, #tpu.memory_space<hbm>> -> memref<1x8x25x64xf32, #tpu.memory_space<hbm>>
          %dma_wait3A_41 = tpu.memref_squeeze %dma_wait3A_40 : memref<1x8x25x64xf32, #tpu.memory_space<hbm>> -> memref<8x25x64xf32, #tpu.memory_space<hbm>>
          tpu.wait_dma2 semaphore(%run_scoped3A : memref<!tpu.dma_semaphore, #tpu.memory_space<semaphore_mem>>) src(%dma_wait3A_41 : memref<8x25x64xf32, #tpu.memory_space<hbm>>) dst(%arg4 : memref<8x25x64xf32, #tpu.memory_space<vmem>>)
          tpu.yield
        }) : () -> ()
        %scan3A_19 = arith.constant 0 : i32
        %scan3A_20 = arith.constant 0 : i32
        %scan3A_21 = arith.constant 25 : i32
        %scan3A_22 = arith.addi %scan3A_20, %scan3A_21 : i32
        %scan3A_23 = arith.constant 1 : i32
        scf.for %scan3A_28 = %scan3A_20 to %scan3A_22 step %scan3A_23  : i32 {
          %get3A = arith.constant 0 : i32
          %get3A_29 = arith.index_cast %get3A : i32 to index
          %get3A_30 = arith.index_cast %scan3A_28 : i32 to index
          %get3A_31 = arith.constant 0 : index
          %get3A_32 = tpu.vector_load %arg4[%get3A_29, %get3A_30, %get3A_31] {strides = array<i32>} : memref<8x25x64xf32, #tpu.memory_space<vmem>>, vector<1x1x16xf32>,
          %get3A_33 = vector.shape_cast %get3A_32 : vector<1x1x16xf32> to vector<16xf32>
          %mul3A_34 = arith.constant 0.00999999977 : f32
          %mul3A_35 = vector.broadcast %mul3A_34 : f32 to vector<16xf32>
          %mul3A_36 = arith.mulf %get3A_33, %mul3A_35 : vector<16xf32>
          %add3A_37 = arith.constant 0 : i32
          %add3A_38 = arith.addi %add3A_37, %scan3A_28 : i32
          %swap3A = arith.index_cast %add3A_38 : i32 to index
          %swap3A_39 = arith.constant 0 : index
          %swap3A_40 = tpu.vector_load %arg5[%swap3A, %swap3A_39] {strides = array<i32>} : memref<200x64xf32, #tpu.memory_space<vmem>>, vector<1x16xf32>,
          %swap3A_41 = vector.shape_cast %swap3A_40 : vector<1x16xf32> to vector<16xf32>
          %swap3A_42 = vector.shape_cast %mul3A_36 : vector<16xf32> to vector<1x16xf32>
          tpu.vector_store %arg5[%swap3A, %swap3A_39], %swap3A_42 {strides = array<i32>} : memref<200x64xf32, #tpu.memory_space<vmem>>, vector<1x16xf32>,
          %get3A_43 = arith.constant 0 : i32
          %get3A_44 = arith.index_cast %get3A_43 : i32 to index
          %get3A_45 = arith.index_cast %scan3A_28 : i32 to index
          %get3A_46 = arith.constant 16 : index
          %get3A_47 = tpu.vector_load %arg4[%get3A_44, %get3A_45, %get3A_46] {strides = array<i32>} : memref<8x25x64xf32, #tpu.memory_space<vmem>>, vector<1x1x16xf32>,
          %get3A_48 = vector.shape_cast %get3A_47 : vector<1x1x16xf32> to vector<16xf32>
          %mul3A_49 = arith.constant 0.00999999977 : f32
          %mul3A_50 = vector.broadcast %mul3A_49 : f32 to vector<16xf32>
          %mul3A_51 = arith.mulf %get3A_48, %mul3A_50 : vector<16xf32>
          %add3A_52 = arith.constant 0 : i32
          %add3A_53 = arith.addi %add3A_52, %scan3A_28 : i32
          %swap3A_54 = arith.index_cast %add3A_53 : i32 to index
          %swap3A_55 = arith.constant 16 : index
          %swap3A_56 = tpu.vector_load %arg5[%swap3A_54, %swap3A_55] {strides = array<i32>} : memref<200x64xf32, #tpu.memory_space<vmem>>, vector<1x16xf32>,
          %swap3A_57 = vector.shape_cast %swap3A_56 : vector<1x16xf32> to vector<16xf32>
          %swap3A_58 = vector.shape_cast %mul3A_51 : vector<16xf32> to vector<1x16xf32>
          tpu.vector_store %arg5[%swap3A_54, %swap3A_55], %swap3A_58 {strides = array<i32>} : memref<200x64xf32, #tpu.memory_space<vmem>>, vector<1x16xf32>,
          %get3A_59 = arith.constant 0 : i32
          %get3A_60 = arith.index_cast %get3A_59 : i32 to index
          %get3A_61 = arith.index_cast %scan3A_28 : i32 to index
          %get3A_62 = arith.constant 32 : index
          %get3A_63 = tpu.vector_load %arg4[%get3A_60, %get3A_61, %get3A_62] {strides = array<i32>} : memref<8x25x64xf32, #tpu.memory_space<vmem>>, vector<1x1x16xf32>,
          %get3A_64 = vector.shape_cast %get3A_63 : vector<1x1x16xf32> to vector<16xf32>
          %mul3A_65 = arith.constant 0.00999999977 : f32
          %mul3A_66 = vector.broadcast %mul3A_65 : f32 to vector<16xf32>
          %mul3A_67 = arith.mulf %get3A_64, %mul3A_66 : vector<16xf32>
          %add3A_68 = arith.constant 0 : i32
          %add3A_69 = arith.addi %add3A_68, %scan3A_28 : i32
          %swap3A_70 = arith.index_cast %add3A_69 : i32 to index
          %swap3A_71 = arith.constant 32 : index
          %swap3A_72 = tpu.vector_load %arg5[%swap3A_70, %swap3A_71] {strides = array<i32>} : memref<200x64xf32, #tpu.memory_space<vmem>>, vector<1x16xf32>,
          %swap3A_73 = vector.shape_cast %swap3A_72 : vector<1x16xf32> to vector<16xf32>
          %swap3A_74 = vector.shape_cast %mul3A_67 : vector<16xf32> to vector<1x16xf32>
          tpu.vector_store %arg5[%swap3A_70, %swap3A_71], %swap3A_74 {strides = array<i32>} : memref<200x64xf32, #tpu.memory_space<vmem>>, vector<1x16xf32>,
          %get3A_75 = arith.constant 0 : i32
          %get3A_76 = arith.index_cast %get3A_75 : i32 to index
          %get3A_77 = arith.index_cast %scan3A_28 : i32 to index
          %get3A_78 = arith.constant 48 : index
          %get3A_79 = tpu.vector_load %arg4[%get3A_76, %get3A_77, %get3A_78] {strides = array<i32>} : memref<8x25x64xf32, #tpu.memory_space<vmem>>, vector<1x1x16xf32>,
          %get3A_80 = vector.shape_cast %get3A_79 : vector<1x1x16xf32> to vector<16xf32>
          %mul3A_81 = arith.constant 0.00999999977 : f32
          %mul3A_82 = vector.broadcast %mul3A_81 : f32 to vector<16xf32>
          %mul3A_83 = arith.mulf %get3A_80, %mul3A_82 : vector<16xf32>
          %add3A_84 = arith.constant 0 : i32
          %add3A_85 = arith.addi %add3A_84, %scan3A_28 : i32
          %swap3A_86 = arith.index_cast %add3A_85 : i32 to index
          %swap3A_87 = arith.constant 48 : index
          %swap3A_88 = tpu.vector_load %arg5[%swap3A_86, %swap3A_87] {strides = array<i32>} : memref<200x64xf32, #tpu.memory_space<vmem>>, vector<1x16xf32>,
          %swap3A_89 = vector.shape_cast %swap3A_88 : vector<1x16xf32> to vector<16xf32>
          %swap3A_90 = vector.shape_cast %mul3A_83 : vector<16xf32> to vector<1x16xf32>
          tpu.vector_store %arg5[%swap3A_86, %swap3A_87], %swap3A_90 {strides = array<i32>} : memref<200x64xf32, #tpu.memory_space<vmem>>, vector<1x16xf32>,
          %get3A_91 = arith.constant 1 : i32
          %get3A_92 = arith.index_cast %get3A_91 : i32 to index
          %get3A_93 = arith.index_cast %scan3A_28 : i32 to index
          %get3A_94 = arith.constant 0 : index
          %get3A_95 = tpu.vector_load %arg4[%get3A_92, %get3A_93, %get3A_94] {strides = array<i32>} : memref<8x25x64xf32, #tpu.memory_space<vmem>>, vector<1x1x16xf32>,
          %get3A_96 = vector.shape_cast %get3A_95 : vector<1x1x16xf32> to vector<16xf32>
          %mul3A_97 = arith.constant 0.00999999977 : f32
          %mul3A_98 = vector.broadcast %mul3A_97 : f32 to vector<16xf32>
          %mul3A_99 = arith.mulf %get3A_96, %mul3A_98 : vector<16xf32>
          %add3A_100 = arith.constant 25 : i32
          %add3A_101 = arith.addi %add3A_100, %scan3A_28 : i32
          %swap3A_102 = arith.index_cast %add3A_101 : i32 to index
          %swap3A_103 = arith.constant 0 : index
          %swap3A_104 = tpu.vector_load %arg5[%swap3A_102, %swap3A_103] {strides = array<i32>} : memref<200x64xf32, #tpu.memory_space<vmem>>, vector<1x16xf32>,
          %swap3A_105 = vector.shape_cast %swap3A_104 : vector<1x16xf32> to vector<16xf32>
          %swap3A_106 = vector.shape_cast %mul3A_99 : vector<16xf32> to vector<1x16xf32>
          tpu.vector_store %arg5[%swap3A_102, %swap3A_103], %swap3A_106 {strides = array<i32>} : memref<200x64xf32, #tpu.memory_space<vmem>>, vector<1x16xf32>,
          %get3A_107 = arith.constant 1 : i32
          %get3A_108 = arith.index_cast %get3A_107 : i32 to index
          %get3A_109 = arith.index_cast %scan3A_28 : i32 to index
          %get3A_110 = arith.constant 16 : index
          %get3A_111 = tpu.vector_load %arg4[%get3A_108, %get3A_109, %get3A_110] {strides = array<i32>} : memref<8x25x64xf32, #tpu.memory_space<vmem>>, vector<1x1x16xf32>,
          %get3A_112 = vector.shape_cast %get3A_111 : vector<1x1x16xf32> to vector<16xf32>
          %mul3A_113 = arith.constant 0.00999999977 : f32
          %mul3A_114 = vector.broadcast %mul3A_113 : f32 to vector<16xf32>
          %mul3A_115 = arith.mulf %get3A_112, %mul3A_114 : vector<16xf32>
          %add3A_116 = arith.constant 25 : i32
          %add3A_117 = arith.addi %add3A_116, %scan3A_28 : i32
          %swap3A_118 = arith.index_cast %add3A_117 : i32 to index
          %swap3A_119 = arith.constant 16 : index
          %swap3A_120 = tpu.vector_load %arg5[%swap3A_118, %swap3A_119] {strides = array<i32>} : memref<200x64xf32, #tpu.memory_space<vmem>>, vector<1x16xf32>,
          %swap3A_121 = vector.shape_cast %swap3A_120 : vector<1x16xf32> to vector<16xf32>
          %swap3A_122 = vector.shape_cast %mul3A_115 : vector<16xf32> to vector<1x16xf32>
          tpu.vector_store %arg5[%swap3A_118, %swap3A_119], %swap3A_122 {strides = array<i32>} : memref<200x64xf32, #tpu.memory_space<vmem>>, vector<1x16xf32>,
          %get3A_123 = arith.constant 1 : i32
          %get3A_124 = arith.index_cast %get3A_123 : i32 to index
          %get3A_125 = arith.index_cast %scan3A_28 : i32 to index
          %get3A_126 = arith.constant 32 : index
          %get3A_127 = tpu.vector_load %arg4[%get3A_124, %get3A_125, %get3A_126] {strides = array<i32>} : memref<8x25x64xf32, #tpu.memory_space<vmem>>, vector<1x1x16xf32>,
          %get3A_128 = vector.shape_cast %get3A_127 : vector<1x1x16xf32> to vector<16xf32>
          %mul3A_129 = arith.constant 0.00999999977 : f32
          %mul3A_130 = vector.broadcast %mul3A_129 : f32 to vector<16xf32>
          %mul3A_131 = arith.mulf %get3A_128, %mul3A_130 : vector<16xf32>
          %add3A_132 = arith.constant 25 : i32
          %add3A_133 = arith.addi %add3A_132, %scan3A_28 : i32
          %swap3A_134 = arith.index_cast %add3A_133 : i32 to index
          %swap3A_135 = arith.constant 32 : index
          %swap3A_136 = tpu.vector_load %arg5[%swap3A_134, %swap3A_135] {strides = array<i32>} : memref<200x64xf32, #tpu.memory_space<vmem>>, vector<1x16xf32>,
          %swap3A_137 = vector.shape_cast %swap3A_136 : vector<1x16xf32> to vector<16xf32>
          %swap3A_138 = vector.shape_cast %mul3A_131 : vector<16xf32> to vector<1x16xf32>
          tpu.vector_store %arg5[%swap3A_134, %swap3A_135], %swap3A_138 {strides = array<i32>} : memref<200x64xf32, #tpu.memory_space<vmem>>, vector<1x16xf32>,
          %get3A_139 = arith.constant 1 : i32
          %get3A_140 = arith.index_cast %get3A_139 : i32 to index
          %get3A_141 = arith.index_cast %scan3A_28 : i32 to index
          %get3A_142 = arith.constant 48 : index
          %get3A_143 = tpu.vector_load %arg4[%get3A_140, %get3A_141, %get3A_142] {strides = array<i32>} : memref<8x25x64xf32, #tpu.memory_space<vmem>>, vector<1x1x16xf32>,
          %get3A_144 = vector.shape_cast %get3A_143 : vector<1x1x16xf32> to vector<16xf32>
          %mul3A_145 = arith.constant 0.00999999977 : f32
          %mul3A_146 = vector.broadcast %mul3A_145 : f32 to vector<16xf32>
          %mul3A_147 = arith.mulf %get3A_144, %mul3A_146 : vector<16xf32>
          %add3A_148 = arith.constant 25 : i32
          %add3A_149 = arith.addi %add3A_148, %scan3A_28 : i32
          %swap3A_150 = arith.index_cast %add3A_149 : i32 to index
          %swap3A_151 = arith.constant 48 : index
          %swap3A_152 = tpu.vector_load %arg5[%swap3A_150, %swap3A_151] {strides = array<i32>} : memref<200x64xf32, #tpu.memory_space<vmem>>, vector<1x16xf32>,
          %swap3A_153 = vector.shape_cast %swap3A_152 : vector<1x16xf32> to vector<16xf32>
          %swap3A_154 = vector.shape_cast %mul3A_147 : vector<16xf32> to vector<1x16xf32>
          tpu.vector_store %arg5[%swap3A_150, %swap3A_151], %swap3A_154 {strides = array<i32>} : memref<200x64xf32, #tpu.memory_space<vmem>>, vector<1x16xf32>,
          %get3A_155 = arith.constant 2 : i32
          %get3A_156 = arith.index_cast %get3A_155 : i32 to index
          %get3A_157 = arith.index_cast %scan3A_28 : i32 to index
          %get3A_158 = arith.constant 0 : index
          %get3A_159 = tpu.vector_load %arg4[%get3A_156, %get3A_157, %get3A_158] {strides = array<i32>} : memref<8x25x64xf32, #tpu.memory_space<vmem>>, vector<1x1x16xf32>,
          %get3A_160 = vector.shape_cast %get3A_159 : vector<1x1x16xf32> to vector<16xf32>
          %mul3A_161 = arith.constant 0.00999999977 : f32
          %mul3A_162 = vector.broadcast %mul3A_161 : f32 to vector<16xf32>
          %mul3A_163 = arith.mulf %get3A_160, %mul3A_162 : vector<16xf32>
          %add3A_164 = arith.constant 50 : i32
          %add3A_165 = arith.addi %add3A_164, %scan3A_28 : i32
          %swap3A_166 = arith.index_cast %add3A_165 : i32 to index
          %swap3A_167 = arith.constant 0 : index
          %swap3A_168 = tpu.vector_load %arg5[%swap3A_166, %swap3A_167] {strides = array<i32>} : memref<200x64xf32, #tpu.memory_space<vmem>>, vector<1x16xf32>,
          %swap3A_169 = vector.shape_cast %swap3A_168 : vector<1x16xf32> to vector<16xf32>
          %swap3A_170 = vector.shape_cast %mul3A_163 : vector<16xf32> to vector<1x16xf32>
          tpu.vector_store %arg5[%swap3A_166, %swap3A_167], %swap3A_170 {strides = array<i32>} : memref<200x64xf32, #tpu.memory_space<vmem>>, vector<1x16xf32>,
          %get3A_171 = arith.constant 2 : i32
          %get3A_172 = arith.index_cast %get3A_171 : i32 to index
          %get3A_173 = arith.index_cast %scan3A_28 : i32 to index
          %get3A_174 = arith.constant 16 : index
          %get3A_175 = tpu.vector_load %arg4[%get3A_172, %get3A_173, %get3A_174] {strides = array<i32>} : memref<8x25x64xf32, #tpu.memory_space<vmem>>, vector<1x1x16xf32>,
          %get3A_176 = vector.shape_cast %get3A_175 : vector<1x1x16xf32> to vector<16xf32>
          %mul3A_177 = arith.constant 0.00999999977 : f32
          %mul3A_178 = vector.broadcast %mul3A_177 : f32 to vector<16xf32>
          %mul3A_179 = arith.mulf %get3A_176, %mul3A_178 : vector<16xf32>
          %add3A_180 = arith.constant 50 : i32
          %add3A_181 = arith.addi %add3A_180, %scan3A_28 : i32
          %swap3A_182 = arith.index_cast %add3A_181 : i32 to index
          %swap3A_183 = arith.constant 16 : index
          %swap3A_184 = tpu.vector_load %arg5[%swap3A_182, %swap3A_183] {strides = array<i32>} : memref<200x64xf32, #tpu.memory_space<vmem>>, vector<1x16xf32>,
          %swap3A_185 = vector.shape_cast %swap3A_184 : vector<1x16xf32> to vector<16xf32>
          %swap3A_186 = vector.shape_cast %mul3A_179 : vector<16xf32> to vector<1x16xf32>
          tpu.vector_store %arg5[%swap3A_182, %swap3A_183], %swap3A_186 {strides = array<i32>} : memref<200x64xf32, #tpu.memory_space<vmem>>, vector<1x16xf32>,
          %get3A_187 = arith.constant 2 : i32
          %get3A_188 = arith.index_cast %get3A_187 : i32 to index
          %get3A_189 = arith.index_cast %scan3A_28 : i32 to index
          %get3A_190 = arith.constant 32 : index
          %get3A_191 = tpu.vector_load %arg4[%get3A_188, %get3A_189, %get3A_190] {strides = array<i32>} : memref<8x25x64xf32, #tpu.memory_space<vmem>>, vector<1x1x16xf32>,
          %get3A_192 = vector.shape_cast %get3A_191 : vector<1x1x16xf32> to vector<16xf32>
          %mul3A_193 = arith.constant 0.00999999977 : f32
          %mul3A_194 = vector.broadcast %mul3A_193 : f32 to vector<16xf32>
          %mul3A_195 = arith.mulf %get3A_192, %mul3A_194 : vector<16xf32>
          %add3A_196 = arith.constant 50 : i32
          %add3A_197 = arith.addi %add3A_196, %scan3A_28 : i32
          %swap3A_198 = arith.index_cast %add3A_197 : i32 to index
          %swap3A_199 = arith.constant 32 : index
          %swap3A_200 = tpu.vector_load %arg5[%swap3A_198, %swap3A_199] {strides = array<i32>} : memref<200x64xf32, #tpu.memory_space<vmem>>, vector<1x16xf32>,
          %swap3A_201 = vector.shape_cast %swap3A_200 : vector<1x16xf32> to vector<16xf32>
          %swap3A_202 = vector.shape_cast %mul3A_195 : vector<16xf32> to vector<1x16xf32>
          tpu.vector_store %arg5[%swap3A_198, %swap3A_199], %swap3A_202 {strides = array<i32>} : memref<200x64xf32, #tpu.memory_space<vmem>>, vector<1x16xf32>,
          %get3A_203 = arith.constant 2 : i32
          %get3A_204 = arith.index_cast %get3A_203 : i32 to index
          %get3A_205 = arith.index_cast %scan3A_28 : i32 to index
          %get3A_206 = arith.constant 48 : index
          %get3A_207 = tpu.vector_load %arg4[%get3A_204, %get3A_205, %get3A_206] {strides = array<i32>} : memref<8x25x64xf32, #tpu.memory_space<vmem>>, vector<1x1x16xf32>,
          %get3A_208 = vector.shape_cast %get3A_207 : vector<1x1x16xf32> to vector<16xf32>
          %mul3A_209 = arith.constant 0.00999999977 : f32
          %mul3A_210 = vector.broadcast %mul3A_209 : f32 to vector<16xf32>
          %mul3A_211 = arith.mulf %get3A_208, %mul3A_210 : vector<16xf32>
          %add3A_212 = arith.constant 50 : i32
          %add3A_213 = arith.addi %add3A_212, %scan3A_28 : i32
          %swap3A_214 = arith.index_cast %add3A_213 : i32 to index
          %swap3A_215 = arith.constant 48 : index
          %swap3A_216 = tpu.vector_load %arg5[%swap3A_214, %swap3A_215] {strides = array<i32>} : memref<200x64xf32, #tpu.memory_space<vmem>>, vector<1x16xf32>,
          %swap3A_217 = vector.shape_cast %swap3A_216 : vector<1x16xf32> to vector<16xf32>
          %swap3A_218 = vector.shape_cast %mul3A_211 : vector<16xf32> to vector<1x16xf32>
          tpu.vector_store %arg5[%swap3A_214, %swap3A_215], %swap3A_218 {strides = array<i32>} : memref<200x64xf32, #tpu.memory_space<vmem>>, vector<1x16xf32>,
          %get3A_219 = arith.constant 3 : i32
          %get3A_220 = arith.index_cast %get3A_219 : i32 to index
          %get3A_221 = arith.index_cast %scan3A_28 : i32 to index
          %get3A_222 = arith.constant 0 : index
          %get3A_223 = tpu.vector_load %arg4[%get3A_220, %get3A_221, %get3A_222] {strides = array<i32>} : memref<8x25x64xf32, #tpu.memory_space<vmem>>, vector<1x1x16xf32>,
          %get3A_224 = vector.shape_cast %get3A_223 : vector<1x1x16xf32> to vector<16xf32>
          %mul3A_225 = arith.constant 0.00999999977 : f32
          %mul3A_226 = vector.broadcast %mul3A_225 : f32 to vector<16xf32>
          %mul3A_227 = arith.mulf %get3A_224, %mul3A_226 : vector<16xf32>
          %add3A_228 = arith.constant 75 : i32
          %add3A_229 = arith.addi %add3A_228, %scan3A_28 : i32
          %swap3A_230 = arith.index_cast %add3A_229 : i32 to index
          %swap3A_231 = arith.constant 0 : index
          %swap3A_232 = tpu.vector_load %arg5[%swap3A_230, %swap3A_231] {strides = array<i32>} : memref<200x64xf32, #tpu.memory_space<vmem>>, vector<1x16xf32>,
          %swap3A_233 = vector.shape_cast %swap3A_232 : vector<1x16xf32> to vector<16xf32>
          %swap3A_234 = vector.shape_cast %mul3A_227 : vector<16xf32> to vector<1x16xf32>
          tpu.vector_store %arg5[%swap3A_230, %swap3A_231], %swap3A_234 {strides = array<i32>} : memref<200x64xf32, #tpu.memory_space<vmem>>, vector<1x16xf32>,
          %get3A_235 = arith.constant 3 : i32
          %get3A_236 = arith.index_cast %get3A_235 : i32 to index
          %get3A_237 = arith.index_cast %scan3A_28 : i32 to index
          %get3A_238 = arith.constant 16 : index
          %get3A_239 = tpu.vector_load %arg4[%get3A_236, %get3A_237, %get3A_238] {strides = array<i32>} : memref<8x25x64xf32, #tpu.memory_space<vmem>>, vector<1x1x16xf32>,
          %get3A_240 = vector.shape_cast %get3A_239 : vector<1x1x16xf32> to vector<16xf32>
          %mul3A_241 = arith.constant 0.00999999977 : f32
          %mul3A_242 = vector.broadcast %mul3A_241 : f32 to vector<16xf32>
          %mul3A_243 = arith.mulf %get3A_240, %mul3A_242 : vector<16xf32>
          %add3A_244 = arith.constant 75 : i32
          %add3A_245 = arith.addi %add3A_244, %scan3A_28 : i32
          %swap3A_246 = arith.index_cast %add3A_245 : i32 to index
          %swap3A_247 = arith.constant 16 : index
          %swap3A_248 = tpu.vector_load %arg5[%swap3A_246, %swap3A_247] {strides = array<i32>} : memref<200x64xf32, #tpu.memory_space<vmem>>, vector<1x16xf32>,
          %swap3A_249 = vector.shape_cast %swap3A_248 : vector<1x16xf32> to vector<16xf32>
          %swap3A_250 = vector.shape_cast %mul3A_243 : vector<16xf32> to vector<1x16xf32>
          tpu.vector_store %arg5[%swap3A_246, %swap3A_247], %swap3A_250 {strides = array<i32>} : memref<200x64xf32, #tpu.memory_space<vmem>>, vector<1x16xf32>,
          %get3A_251 = arith.constant 3 : i32
          %get3A_252 = arith.index_cast %get3A_251 : i32 to index
          %get3A_253 = arith.index_cast %scan3A_28 : i32 to index
          %get3A_254 = arith.constant 32 : index
          %get3A_255 = tpu.vector_load %arg4[%get3A_252, %get3A_253, %get3A_254] {strides = array<i32>} : memref<8x25x64xf32, #tpu.memory_space<vmem>>, vector<1x1x16xf32>,
          %get3A_256 = vector.shape_cast %get3A_255 : vector<1x1x16xf32> to vector<16xf32>
          %mul3A_257 = arith.constant 0.00999999977 : f32
          %mul3A_258 = vector.broadcast %mul3A_257 : f32 to vector<16xf32>
          %mul3A_259 = arith.mulf %get3A_256, %mul3A_258 : vector<16xf32>
          %add3A_260 = arith.constant 75 : i32
          %add3A_261 = arith.addi %add3A_260, %scan3A_28 : i32
          %swap3A_262 = arith.index_cast %add3A_261 : i32 to index
          %swap3A_263 = arith.constant 32 : index
          %swap3A_264 = tpu.vector_load %arg5[%swap3A_262, %swap3A_263] {strides = array<i32>} : memref<200x64xf32, #tpu.memory_space<vmem>>, vector<1x16xf32>,
          %swap3A_265 = vector.shape_cast %swap3A_264 : vector<1x16xf32> to vector<16xf32>
          %swap3A_266 = vector.shape_cast %mul3A_259 : vector<16xf32> to vector<1x16xf32>
          tpu.vector_store %arg5[%swap3A_262, %swap3A_263], %swap3A_266 {strides = array<i32>} : memref<200x64xf32, #tpu.memory_space<vmem>>, vector<1x16xf32>,
          %get3A_267 = arith.constant 3 : i32
          %get3A_268 = arith.index_cast %get3A_267 : i32 to index
          %get3A_269 = arith.index_cast %scan3A_28 : i32 to index
          %get3A_270 = arith.constant 48 : index
          %get3A_271 = tpu.vector_load %arg4[%get3A_268, %get3A_269, %get3A_270] {strides = array<i32>} : memref<8x25x64xf32, #tpu.memory_space<vmem>>, vector<1x1x16xf32>,
          %get3A_272 = vector.shape_cast %get3A_271 : vector<1x1x16xf32> to vector<16xf32>
          %mul3A_273 = arith.constant 0.00999999977 : f32
          %mul3A_274 = vector.broadcast %mul3A_273 : f32 to vector<16xf32>
          %mul3A_275 = arith.mulf %get3A_272, %mul3A_274 : vector<16xf32>
          %add3A_276 = arith.constant 75 : i32
          %add3A_277 = arith.addi %add3A_276, %scan3A_28 : i32
          %swap3A_278 = arith.index_cast %add3A_277 : i32 to index
          %swap3A_279 = arith.constant 48 : index
          %swap3A_280 = tpu.vector_load %arg5[%swap3A_278, %swap3A_279] {strides = array<i32>} : memref<200x64xf32, #tpu.memory_space<vmem>>, vector<1x16xf32>,
          %swap3A_281 = vector.shape_cast %swap3A_280 : vector<1x16xf32> to vector<16xf32>
          %swap3A_282 = vector.shape_cast %mul3A_275 : vector<16xf32> to vector<1x16xf32>
          tpu.vector_store %arg5[%swap3A_278, %swap3A_279], %swap3A_282 {strides = array<i32>} : memref<200x64xf32, #tpu.memory_space<vmem>>, vector<1x16xf32>,
          %get3A_283 = arith.constant 4 : i32
          %get3A_284 = arith.index_cast %get3A_283 : i32 to index
          %get3A_285 = arith.index_cast %scan3A_28 : i32 to index
          %get3A_286 = arith.constant 0 : index
          %get3A_287 = tpu.vector_load %arg4[%get3A_284, %get3A_285, %get3A_286] {strides = array<i32>} : memref<8x25x64xf32, #tpu.memory_space<vmem>>, vector<1x1x16xf32>,
          %get3A_288 = vector.shape_cast %get3A_287 : vector<1x1x16xf32> to vector<16xf32>
          %mul3A_289 = arith.constant 0.00999999977 : f32
          %mul3A_290 = vector.broadcast %mul3A_289 : f32 to vector<16xf32>
          %mul3A_291 = arith.mulf %get3A_288, %mul3A_290 : vector<16xf32>
          %add3A_292 = arith.constant 100 : i32
          %add3A_293 = arith.addi %add3A_292, %scan3A_28 : i32
          %swap3A_294 = arith.index_cast %add3A_293 : i32 to index
          %swap3A_295 = arith.constant 0 : index
          %swap3A_296 = tpu.vector_load %arg5[%swap3A_294, %swap3A_295] {strides = array<i32>} : memref<200x64xf32, #tpu.memory_space<vmem>>, vector<1x16xf32>,
          %swap3A_297 = vector.shape_cast %swap3A_296 : vector<1x16xf32> to vector<16xf32>
          %swap3A_298 = vector.shape_cast %mul3A_291 : vector<16xf32> to vector<1x16xf32>
          tpu.vector_store %arg5[%swap3A_294, %swap3A_295], %swap3A_298 {strides = array<i32>} : memref<200x64xf32, #tpu.memory_space<vmem>>, vector<1x16xf32>,
          %get3A_299 = arith.constant 4 : i32
          %get3A_300 = arith.index_cast %get3A_299 : i32 to index
          %get3A_301 = arith.index_cast %scan3A_28 : i32 to index
          %get3A_302 = arith.constant 16 : index
          %get3A_303 = tpu.vector_load %arg4[%get3A_300, %get3A_301, %get3A_302] {strides = array<i32>} : memref<8x25x64xf32, #tpu.memory_space<vmem>>, vector<1x1x16xf32>,
          %get3A_304 = vector.shape_cast %get3A_303 : vector<1x1x16xf32> to vector<16xf32>
          %mul3A_305 = arith.constant 0.00999999977 : f32
          %mul3A_306 = vector.broadcast %mul3A_305 : f32 to vector<16xf32>
          %mul3A_307 = arith.mulf %get3A_304, %mul3A_306 : vector<16xf32>
          %add3A_308 = arith.constant 100 : i32
          %add3A_309 = arith.addi %add3A_308, %scan3A_28 : i32
          %swap3A_310 = arith.index_cast %add3A_309 : i32 to index
          %swap3A_311 = arith.constant 16 : index
          %swap3A_312 = tpu.vector_load %arg5[%swap3A_310, %swap3A_311] {strides = array<i32>} : memref<200x64xf32, #tpu.memory_space<vmem>>, vector<1x16xf32>,
          %swap3A_313 = vector.shape_cast %swap3A_312 : vector<1x16xf32> to vector<16xf32>
          %swap3A_314 = vector.shape_cast %mul3A_307 : vector<16xf32> to vector<1x16xf32>
          tpu.vector_store %arg5[%swap3A_310, %swap3A_311], %swap3A_314 {strides = array<i32>} : memref<200x64xf32, #tpu.memory_space<vmem>>, vector<1x16xf32>,
          %get3A_315 = arith.constant 4 : i32
          %get3A_316 = arith.index_cast %get3A_315 : i32 to index
          %get3A_317 = arith.index_cast %scan3A_28 : i32 to index
          %get3A_318 = arith.constant 32 : index
          %get3A_319 = tpu.vector_load %arg4[%get3A_316, %get3A_317, %get3A_318] {strides = array<i32>} : memref<8x25x64xf32, #tpu.memory_space<vmem>>, vector<1x1x16xf32>,
          %get3A_320 = vector.shape_cast %get3A_319 : vector<1x1x16xf32> to vector<16xf32>
          %mul3A_321 = arith.constant 0.00999999977 : f32
          %mul3A_322 = vector.broadcast %mul3A_321 : f32 to vector<16xf32>
          %mul3A_323 = arith.mulf %get3A_320, %mul3A_322 : vector<16xf32>
          %add3A_324 = arith.constant 100 : i32
          %add3A_325 = arith.addi %add3A_324, %scan3A_28 : i32
          %swap3A_326 = arith.index_cast %add3A_325 : i32 to index
          %swap3A_327 = arith.constant 32 : index
          %swap3A_328 = tpu.vector_load %arg5[%swap3A_326, %swap3A_327] {strides = array<i32>} : memref<200x64xf32, #tpu.memory_space<vmem>>, vector<1x16xf32>,
          %swap3A_329 = vector.shape_cast %swap3A_328 : vector<1x16xf32> to vector<16xf32>
          %swap3A_330 = vector.shape_cast %mul3A_323 : vector<16xf32> to vector<1x16xf32>
          tpu.vector_store %arg5[%swap3A_326, %swap3A_327], %swap3A_330 {strides = array<i32>} : memref<200x64xf32, #tpu.memory_space<vmem>>, vector<1x16xf32>,
          %get3A_331 = arith.constant 4 : i32
          %get3A_332 = arith.index_cast %get3A_331 : i32 to index
          %get3A_333 = arith.index_cast %scan3A_28 : i32 to index
          %get3A_334 = arith.constant 48 : index
          %get3A_335 = tpu.vector_load %arg4[%get3A_332, %get3A_333, %get3A_334] {strides = array<i32>} : memref<8x25x64xf32, #tpu.memory_space<vmem>>, vector<1x1x16xf32>,
          %get3A_336 = vector.shape_cast %get3A_335 : vector<1x1x16xf32> to vector<16xf32>
          %mul3A_337 = arith.constant 0.00999999977 : f32
          %mul3A_338 = vector.broadcast %mul3A_337 : f32 to vector<16xf32>
          %mul3A_339 = arith.mulf %get3A_336, %mul3A_338 : vector<16xf32>
          %add3A_340 = arith.constant 100 : i32
          %add3A_341 = arith.addi %add3A_340, %scan3A_28 : i32
          %swap3A_342 = arith.index_cast %add3A_341 : i32 to index
          %swap3A_343 = arith.constant 48 : index
          %swap3A_344 = tpu.vector_load %arg5[%swap3A_342, %swap3A_343] {strides = array<i32>} : memref<200x64xf32, #tpu.memory_space<vmem>>, vector<1x16xf32>,
          %swap3A_345 = vector.shape_cast %swap3A_344 : vector<1x16xf32> to vector<16xf32>
          %swap3A_346 = vector.shape_cast %mul3A_339 : vector<16xf32> to vector<1x16xf32>
          tpu.vector_store %arg5[%swap3A_342, %swap3A_343], %swap3A_346 {strides = array<i32>} : memref<200x64xf32, #tpu.memory_space<vmem>>, vector<1x16xf32>,
          %get3A_347 = arith.constant 5 : i32
          %get3A_348 = arith.index_cast %get3A_347 : i32 to index
          %get3A_349 = arith.index_cast %scan3A_28 : i32 to index
          %get3A_350 = arith.constant 0 : index
          %get3A_351 = tpu.vector_load %arg4[%get3A_348, %get3A_349, %get3A_350] {strides = array<i32>} : memref<8x25x64xf32, #tpu.memory_space<vmem>>, vector<1x1x16xf32>,
          %get3A_352 = vector.shape_cast %get3A_351 : vector<1x1x16xf32> to vector<16xf32>
          %mul3A_353 = arith.constant 0.00999999977 : f32
          %mul3A_354 = vector.broadcast %mul3A_353 : f32 to vector<16xf32>
          %mul3A_355 = arith.mulf %get3A_352, %mul3A_354 : vector<16xf32>
          %add3A_356 = arith.constant 125 : i32
          %add3A_357 = arith.addi %add3A_356, %scan3A_28 : i32
          %swap3A_358 = arith.index_cast %add3A_357 : i32 to index
          %swap3A_359 = arith.constant 0 : index
          %swap3A_360 = tpu.vector_load %arg5[%swap3A_358, %swap3A_359] {strides = array<i32>} : memref<200x64xf32, #tpu.memory_space<vmem>>, vector<1x16xf32>,
          %swap3A_361 = vector.shape_cast %swap3A_360 : vector<1x16xf32> to vector<16xf32>
          %swap3A_362 = vector.shape_cast %mul3A_355 : vector<16xf32> to vector<1x16xf32>
          tpu.vector_store %arg5[%swap3A_358, %swap3A_359], %swap3A_362 {strides = array<i32>} : memref<200x64xf32, #tpu.memory_space<vmem>>, vector<1x16xf32>,
          %get3A_363 = arith.constant 5 : i32
          %get3A_364 = arith.index_cast %get3A_363 : i32 to index
          %get3A_365 = arith.index_cast %scan3A_28 : i32 to index
          %get3A_366 = arith.constant 16 : index
          %get3A_367 = tpu.vector_load %arg4[%get3A_364, %get3A_365, %get3A_366] {strides = array<i32>} : memref<8x25x64xf32, #tpu.memory_space<vmem>>, vector<1x1x16xf32>,
          %get3A_368 = vector.shape_cast %get3A_367 : vector<1x1x16xf32> to vector<16xf32>
          %mul3A_369 = arith.constant 0.00999999977 : f32
          %mul3A_370 = vector.broadcast %mul3A_369 : f32 to vector<16xf32>
          %mul3A_371 = arith.mulf %get3A_368, %mul3A_370 : vector<16xf32>
          %add3A_372 = arith.constant 125 : i32
          %add3A_373 = arith.addi %add3A_372, %scan3A_28 : i32
          %swap3A_374 = arith.index_cast %add3A_373 : i32 to index
          %swap3A_375 = arith.constant 16 : index
          %swap3A_376 = tpu.vector_load %arg5[%swap3A_374, %swap3A_375] {strides = array<i32>} : memref<200x64xf32, #tpu.memory_space<vmem>>, vector<1x16xf32>,
          %swap3A_377 = vector.shape_cast %swap3A_376 : vector<1x16xf32> to vector<16xf32>
          %swap3A_378 = vector.shape_cast %mul3A_371 : vector<16xf32> to vector<1x16xf32>
          tpu.vector_store %arg5[%swap3A_374, %swap3A_375], %swap3A_378 {strides = array<i32>} : memref<200x64xf32, #tpu.memory_space<vmem>>, vector<1x16xf32>,
          %get3A_379 = arith.constant 5 : i32
          %get3A_380 = arith.index_cast %get3A_379 : i32 to index
          %get3A_381 = arith.index_cast %scan3A_28 : i32 to index
          %get3A_382 = arith.constant 32 : index
          %get3A_383 = tpu.vector_load %arg4[%get3A_380, %get3A_381, %get3A_382] {strides = array<i32>} : memref<8x25x64xf32, #tpu.memory_space<vmem>>, vector<1x1x16xf32>,
          %get3A_384 = vector.shape_cast %get3A_383 : vector<1x1x16xf32> to vector<16xf32>
          %mul3A_385 = arith.constant 0.00999999977 : f32
          %mul3A_386 = vector.broadcast %mul3A_385 : f32 to vector<16xf32>
          %mul3A_387 = arith.mulf %get3A_384, %mul3A_386 : vector<16xf32>
          %add3A_388 = arith.constant 125 : i32
          %add3A_389 = arith.addi %add3A_388, %scan3A_28 : i32
          %swap3A_390 = arith.index_cast %add3A_389 : i32 to index
          %swap3A_391 = arith.constant 32 : index
          %swap3A_392 = tpu.vector_load %arg5[%swap3A_390, %swap3A_391] {strides = array<i32>} : memref<200x64xf32, #tpu.memory_space<vmem>>, vector<1x16xf32>,
          %swap3A_393 = vector.shape_cast %swap3A_392 : vector<1x16xf32> to vector<16xf32>
          %swap3A_394 = vector.shape_cast %mul3A_387 : vector<16xf32> to vector<1x16xf32>
          tpu.vector_store %arg5[%swap3A_390, %swap3A_391], %swap3A_394 {strides = array<i32>} : memref<200x64xf32, #tpu.memory_space<vmem>>, vector<1x16xf32>,
          %get3A_395 = arith.constant 5 : i32
          %get3A_396 = arith.index_cast %get3A_395 : i32 to index
          %get3A_397 = arith.index_cast %scan3A_28 : i32 to index
          %get3A_398 = arith.constant 48 : index
          %get3A_399 = tpu.vector_load %arg4[%get3A_396, %get3A_397, %get3A_398] {strides = array<i32>} : memref<8x25x64xf32, #tpu.memory_space<vmem>>, vector<1x1x16xf32>,
          %get3A_400 = vector.shape_cast %get3A_399 : vector<1x1x16xf32> to vector<16xf32>
          %mul3A_401 = arith.constant 0.00999999977 : f32
          %mul3A_402 = vector.broadcast %mul3A_401 : f32 to vector<16xf32>
          %mul3A_403 = arith.mulf %get3A_400, %mul3A_402 : vector<16xf32>
          %add3A_404 = arith.constant 125 : i32
          %add3A_405 = arith.addi %add3A_404, %scan3A_28 : i32
          %swap3A_406 = arith.index_cast %add3A_405 : i32 to index
          %swap3A_407 = arith.constant 48 : index
          %swap3A_408 = tpu.vector_load %arg5[%swap3A_406, %swap3A_407] {strides = array<i32>} : memref<200x64xf32, #tpu.memory_space<vmem>>, vector<1x16xf32>,
          %swap3A_409 = vector.shape_cast %swap3A_408 : vector<1x16xf32> to vector<16xf32>
          %swap3A_410 = vector.shape_cast %mul3A_403 : vector<16xf32> to vector<1x16xf32>
          tpu.vector_store %arg5[%swap3A_406, %swap3A_407], %swap3A_410 {strides = array<i32>} : memref<200x64xf32, #tpu.memory_space<vmem>>, vector<1x16xf32>,
          %get3A_411 = arith.constant 6 : i32
          %get3A_412 = arith.index_cast %get3A_411 : i32 to index
          %get3A_413 = arith.index_cast %scan3A_28 : i32 to index
          %get3A_414 = arith.constant 0 : index
          %get3A_415 = tpu.vector_load %arg4[%get3A_412, %get3A_413, %get3A_414] {strides = array<i32>} : memref<8x25x64xf32, #tpu.memory_space<vmem>>, vector<1x1x16xf32>,
          %get3A_416 = vector.shape_cast %get3A_415 : vector<1x1x16xf32> to vector<16xf32>
          %mul3A_417 = arith.constant 0.00999999977 : f32
          %mul3A_418 = vector.broadcast %mul3A_417 : f32 to vector<16xf32>
          %mul3A_419 = arith.mulf %get3A_416, %mul3A_418 : vector<16xf32>
          %add3A_420 = arith.constant 150 : i32
          %add3A_421 = arith.addi %add3A_420, %scan3A_28 : i32
          %swap3A_422 = arith.index_cast %add3A_421 : i32 to index
          %swap3A_423 = arith.constant 0 : index
          %swap3A_424 = tpu.vector_load %arg5[%swap3A_422, %swap3A_423] {strides = array<i32>} : memref<200x64xf32, #tpu.memory_space<vmem>>, vector<1x16xf32>,
          %swap3A_425 = vector.shape_cast %swap3A_424 : vector<1x16xf32> to vector<16xf32>
          %swap3A_426 = vector.shape_cast %mul3A_419 : vector<16xf32> to vector<1x16xf32>
          tpu.vector_store %arg5[%swap3A_422, %swap3A_423], %swap3A_426 {strides = array<i32>} : memref<200x64xf32, #tpu.memory_space<vmem>>, vector<1x16xf32>,
          %get3A_427 = arith.constant 6 : i32
          %get3A_428 = arith.index_cast %get3A_427 : i32 to index
          %get3A_429 = arith.index_cast %scan3A_28 : i32 to index
          %get3A_430 = arith.constant 16 : index
          %get3A_431 = tpu.vector_load %arg4[%get3A_428, %get3A_429, %get3A_430] {strides = array<i32>} : memref<8x25x64xf32, #tpu.memory_space<vmem>>, vector<1x1x16xf32>,
          %get3A_432 = vector.shape_cast %get3A_431 : vector<1x1x16xf32> to vector<16xf32>
          %mul3A_433 = arith.constant 0.00999999977 : f32
          %mul3A_434 = vector.broadcast %mul3A_433 : f32 to vector<16xf32>
          %mul3A_435 = arith.mulf %get3A_432, %mul3A_434 : vector<16xf32>
          %add3A_436 = arith.constant 150 : i32
          %add3A_437 = arith.addi %add3A_436, %scan3A_28 : i32
          %swap3A_438 = arith.index_cast %add3A_437 : i32 to index
          %swap3A_439 = arith.constant 16 : index
          %swap3A_440 = tpu.vector_load %arg5[%swap3A_438, %swap3A_439] {strides = array<i32>} : memref<200x64xf32, #tpu.memory_space<vmem>>, vector<1x16xf32>,
          %swap3A_441 = vector.shape_cast %swap3A_440 : vector<1x16xf32> to vector<16xf32>
          %swap3A_442 = vector.shape_cast %mul3A_435 : vector<16xf32> to vector<1x16xf32>
          tpu.vector_store %arg5[%swap3A_438, %swap3A_439], %swap3A_442 {strides = array<i32>} : memref<200x64xf32, #tpu.memory_space<vmem>>, vector<1x16xf32>,
          %get3A_443 = arith.constant 6 : i32
          %get3A_444 = arith.index_cast %get3A_443 : i32 to index
          %get3A_445 = arith.index_cast %scan3A_28 : i32 to index
          %get3A_446 = arith.constant 32 : index
          %get3A_447 = tpu.vector_load %arg4[%get3A_444, %get3A_445, %get3A_446] {strides = array<i32>} : memref<8x25x64xf32, #tpu.memory_space<vmem>>, vector<1x1x16xf32>,
          %get3A_448 = vector.shape_cast %get3A_447 : vector<1x1x16xf32> to vector<16xf32>
          %mul3A_449 = arith.constant 0.00999999977 : f32
          %mul3A_450 = vector.broadcast %mul3A_449 : f32 to vector<16xf32>
          %mul3A_451 = arith.mulf %get3A_448, %mul3A_450 : vector<16xf32>
          %add3A_452 = arith.constant 150 : i32
          %add3A_453 = arith.addi %add3A_452, %scan3A_28 : i32
          %swap3A_454 = arith.index_cast %add3A_453 : i32 to index
          %swap3A_455 = arith.constant 32 : index
          %swap3A_456 = tpu.vector_load %arg5[%swap3A_454, %swap3A_455] {strides = array<i32>} : memref<200x64xf32, #tpu.memory_space<vmem>>, vector<1x16xf32>,
          %swap3A_457 = vector.shape_cast %swap3A_456 : vector<1x16xf32> to vector<16xf32>
          %swap3A_458 = vector.shape_cast %mul3A_451 : vector<16xf32> to vector<1x16xf32>
          tpu.vector_store %arg5[%swap3A_454, %swap3A_455], %swap3A_458 {strides = array<i32>} : memref<200x64xf32, #tpu.memory_space<vmem>>, vector<1x16xf32>,
          %get3A_459 = arith.constant 6 : i32
          %get3A_460 = arith.index_cast %get3A_459 : i32 to index
          %get3A_461 = arith.index_cast %scan3A_28 : i32 to index
          %get3A_462 = arith.constant 48 : index
          %get3A_463 = tpu.vector_load %arg4[%get3A_460, %get3A_461, %get3A_462] {strides = array<i32>} : memref<8x25x64xf32, #tpu.memory_space<vmem>>, vector<1x1x16xf32>,
          %get3A_464 = vector.shape_cast %get3A_463 : vector<1x1x16xf32> to vector<16xf32>
          %mul3A_465 = arith.constant 0.00999999977 : f32
          %mul3A_466 = vector.broadcast %mul3A_465 : f32 to vector<16xf32>
          %mul3A_467 = arith.mulf %get3A_464, %mul3A_466 : vector<16xf32>
          %add3A_468 = arith.constant 150 : i32
          %add3A_469 = arith.addi %add3A_468, %scan3A_28 : i32
          %swap3A_470 = arith.index_cast %add3A_469 : i32 to index
          %swap3A_471 = arith.constant 48 : index
          %swap3A_472 = tpu.vector_load %arg5[%swap3A_470, %swap3A_471] {strides = array<i32>} : memref<200x64xf32, #tpu.memory_space<vmem>>, vector<1x16xf32>,
          %swap3A_473 = vector.shape_cast %swap3A_472 : vector<1x16xf32> to vector<16xf32>
          %swap3A_474 = vector.shape_cast %mul3A_467 : vector<16xf32> to vector<1x16xf32>
          tpu.vector_store %arg5[%swap3A_470, %swap3A_471], %swap3A_474 {strides = array<i32>} : memref<200x64xf32, #tpu.memory_space<vmem>>, vector<1x16xf32>,
          %get3A_475 = arith.constant 7 : i32
          %get3A_476 = arith.index_cast %get3A_475 : i32 to index
          %get3A_477 = arith.index_cast %scan3A_28 : i32 to index
          %get3A_478 = arith.constant 0 : index
          %get3A_479 = tpu.vector_load %arg4[%get3A_476, %get3A_477, %get3A_478] {strides = array<i32>} : memref<8x25x64xf32, #tpu.memory_space<vmem>>, vector<1x1x16xf32>,
          %get3A_480 = vector.shape_cast %get3A_479 : vector<1x1x16xf32> to vector<16xf32>
          %mul3A_481 = arith.constant 0.00999999977 : f32
          %mul3A_482 = vector.broadcast %mul3A_481 : f32 to vector<16xf32>
          %mul3A_483 = arith.mulf %get3A_480, %mul3A_482 : vector<16xf32>
          %add3A_484 = arith.constant 175 : i32
          %add3A_485 = arith.addi %add3A_484, %scan3A_28 : i32
          %swap3A_486 = arith.index_cast %add3A_485 : i32 to index
          %swap3A_487 = arith.constant 0 : index
          %swap3A_488 = tpu.vector_load %arg5[%swap3A_486, %swap3A_487] {strides = array<i32>} : memref<200x64xf32, #tpu.memory_space<vmem>>, vector<1x16xf32>,
          %swap3A_489 = vector.shape_cast %swap3A_488 : vector<1x16xf32> to vector<16xf32>
          %swap3A_490 = vector.shape_cast %mul3A_483 : vector<16xf32> to vector<1x16xf32>
          tpu.vector_store %arg5[%swap3A_486, %swap3A_487], %swap3A_490 {strides = array<i32>} : memref<200x64xf32, #tpu.memory_space<vmem>>, vector<1x16xf32>,
          %get3A_491 = arith.constant 7 : i32
          %get3A_492 = arith.index_cast %get3A_491 : i32 to index
          %get3A_493 = arith.index_cast %scan3A_28 : i32 to index
          %get3A_494 = arith.constant 16 : index
          %get3A_495 = tpu.vector_load %arg4[%get3A_492, %get3A_493, %get3A_494] {strides = array<i32>} : memref<8x25x64xf32, #tpu.memory_space<vmem>>, vector<1x1x16xf32>,
          %get3A_496 = vector.shape_cast %get3A_495 : vector<1x1x16xf32> to vector<16xf32>
          %mul3A_497 = arith.constant 0.00999999977 : f32
          %mul3A_498 = vector.broadcast %mul3A_497 : f32 to vector<16xf32>
          %mul3A_499 = arith.mulf %get3A_496, %mul3A_498 : vector<16xf32>
          %add3A_500 = arith.constant 175 : i32
          %add3A_501 = arith.addi %add3A_500, %scan3A_28 : i32
          %swap3A_502 = arith.index_cast %add3A_501 : i32 to index
          %swap3A_503 = arith.constant 16 : index
          %swap3A_504 = tpu.vector_load %arg5[%swap3A_502, %swap3A_503] {strides = array<i32>} : memref<200x64xf32, #tpu.memory_space<vmem>>, vector<1x16xf32>,
          %swap3A_505 = vector.shape_cast %swap3A_504 : vector<1x16xf32> to vector<16xf32>
          %swap3A_506 = vector.shape_cast %mul3A_499 : vector<16xf32> to vector<1x16xf32>
          tpu.vector_store %arg5[%swap3A_502, %swap3A_503], %swap3A_506 {strides = array<i32>} : memref<200x64xf32, #tpu.memory_space<vmem>>, vector<1x16xf32>,
          %get3A_507 = arith.constant 7 : i32
          %get3A_508 = arith.index_cast %get3A_507 : i32 to index
          %get3A_509 = arith.index_cast %scan3A_28 : i32 to index
          %get3A_510 = arith.constant 32 : index
          %get3A_511 = tpu.vector_load %arg4[%get3A_508, %get3A_509, %get3A_510] {strides = array<i32>} : memref<8x25x64xf32, #tpu.memory_space<vmem>>, vector<1x1x16xf32>,
          %get3A_512 = vector.shape_cast %get3A_511 : vector<1x1x16xf32> to vector<16xf32>
          %mul3A_513 = arith.constant 0.00999999977 : f32
          %mul3A_514 = vector.broadcast %mul3A_513 : f32 to vector<16xf32>
          %mul3A_515 = arith.mulf %get3A_512, %mul3A_514 : vector<16xf32>
          %add3A_516 = arith.constant 175 : i32
          %add3A_517 = arith.addi %add3A_516, %scan3A_28 : i32
          %swap3A_518 = arith.index_cast %add3A_517 : i32 to index
          %swap3A_519 = arith.constant 32 : index
          %swap3A_520 = tpu.vector_load %arg5[%swap3A_518, %swap3A_519] {strides = array<i32>} : memref<200x64xf32, #tpu.memory_space<vmem>>, vector<1x16xf32>,
          %swap3A_521 = vector.shape_cast %swap3A_520 : vector<1x16xf32> to vector<16xf32>
          %swap3A_522 = vector.shape_cast %mul3A_515 : vector<16xf32> to vector<1x16xf32>
          tpu.vector_store %arg5[%swap3A_518, %swap3A_519], %swap3A_522 {strides = array<i32>} : memref<200x64xf32, #tpu.memory_space<vmem>>, vector<1x16xf32>,
          %get3A_523 = arith.constant 7 : i32
          %get3A_524 = arith.index_cast %get3A_523 : i32 to index
          %get3A_525 = arith.index_cast %scan3A_28 : i32 to index
          %get3A_526 = arith.constant 48 : index
          %get3A_527 = tpu.vector_load %arg4[%get3A_524, %get3A_525, %get3A_526] {strides = array<i32>} : memref<8x25x64xf32, #tpu.memory_space<vmem>>, vector<1x1x16xf32>,
          %get3A_528 = vector.shape_cast %get3A_527 : vector<1x1x16xf32> to vector<16xf32>
          %mul3A_529 = arith.constant 0.00999999977 : f32
          %mul3A_530 = vector.broadcast %mul3A_529 : f32 to vector<16xf32>
          %mul3A_531 = arith.mulf %get3A_528, %mul3A_530 : vector<16xf32>
          %add3A_532 = arith.constant 175 : i32
          %add3A_533 = arith.addi %add3A_532, %scan3A_28 : i32
          %swap3A_534 = arith.index_cast %add3A_533 : i32 to index
          %swap3A_535 = arith.constant 48 : index
          %swap3A_536 = tpu.vector_load %arg5[%swap3A_534, %swap3A_535] {strides = array<i32>} : memref<200x64xf32, #tpu.memory_space<vmem>>, vector<1x16xf32>,
          %swap3A_537 = vector.shape_cast %swap3A_536 : vector<1x16xf32> to vector<16xf32>
          %swap3A_538 = vector.shape_cast %mul3A_531 : vector<16xf32> to vector<1x16xf32>
          tpu.vector_store %arg5[%swap3A_534, %swap3A_535], %swap3A_538 {strides = array<i32>} : memref<200x64xf32, #tpu.memory_space<vmem>>, vector<1x16xf32>,
        }
        %scan3A_24 = arith.constant 25 : i32
        %mul3A_25 = arith.constant 200 : i32
        %mul3A_26 = arith.muli %scan3A_16, %mul3A_25 : i32
        %multiple_of3A_27 = tpu.assume_multiple %mul3A_26, 8 : i32
        "tpu.region"() ({
          %run_scoped3A = tpu.sem_alloc : memref<!tpu.dma_semaphore, #tpu.memory_space<semaphore_mem>>
          %dma_start3A = arith.constant 0 : i32
          %dma_start3A_28 = tpu.memref_slice %arg3[%add3A_9, %multiple_of3A_27, %dma_start3A] : memref<128x1000x64xf32, #tpu.memory_space<hbm>> -> memref<1x200x64xf32, #tpu.memory_space<hbm>>
          %dma_start3A_29 = tpu.memref_squeeze %dma_start3A_28 : memref<1x200x64xf32, #tpu.memory_space<hbm>> -> memref<200x64xf32, #tpu.memory_space<hbm>>
          %dma_start3A_30 = arith.constant 0 : i32
          %dma_start3A_31 = tpu.memref_slice %arg3[%add3A_9, %multiple_of3A_27, %dma_start3A_30] : memref<128x1000x64xf32, #tpu.memory_space<hbm>> -> memref<1x200x64xf32, #tpu.memory_space<hbm>>
          %dma_start3A_32 = tpu.memref_squeeze %dma_start3A_31 : memref<1x200x64xf32, #tpu.memory_space<hbm>> -> memref<200x64xf32, #tpu.memory_space<hbm>>
          tpu.enqueue_dma source(%arg5 : memref<200x64xf32, #tpu.memory_space<vmem>>) target(%dma_start3A_32 : memref<200x64xf32, #tpu.memory_space<hbm>>) target_semaphore(%run_scoped3A : memref<!tpu.dma_semaphore, #tpu.memory_space<semaphore_mem>>)
          %dma_wait3A = arith.constant 0 : i32
          %dma_wait3A_33 = tpu.memref_slice %arg3[%add3A_9, %multiple_of3A_27, %dma_wait3A] : memref<128x1000x64xf32, #tpu.memory_space<hbm>> -> memref<1x200x64xf32, #tpu.memory_space<hbm>>
          %dma_wait3A_34 = tpu.memref_squeeze %dma_wait3A_33 : memref<1x200x64xf32, #tpu.memory_space<hbm>> -> memref<200x64xf32, #tpu.memory_space<hbm>>
          %dma_wait3A_35 = arith.constant 0 : i32
          %dma_wait3A_36 = tpu.memref_slice %arg3[%add3A_9, %multiple_of3A_27, %dma_wait3A_35] : memref<128x1000x64xf32, #tpu.memory_space<hbm>> -> memref<1x200x64xf32, #tpu.memory_space<hbm>>
          %dma_wait3A_37 = tpu.memref_squeeze %dma_wait3A_36 : memref<1x200x64xf32, #tpu.memory_space<hbm>> -> memref<200x64xf32, #tpu.memory_space<hbm>>
          tpu.wait_dma2 semaphore(%run_scoped3A : memref<!tpu.dma_semaphore, #tpu.memory_space<semaphore_mem>>) src(%arg5 : memref<200x64xf32, #tpu.memory_space<vmem>>) dst(%dma_wait3A_37 : memref<200x64xf32, #tpu.memory_space<hbm>>)
          tpu.yield
        }) : () -> ()
      }
      %scan3A_15 = arith.constant 5 : i32
    }
    %scan3A_5 = arith.constant 4 : i32
    return
  }
}

module attributes {stable_mosaic.version = 14 : i64} {
  func.func @_fused_kernel(%arg0: i32, %arg1: memref<4x40x25x64xf32, #tpu.memory_space<vmem>>, %arg2: memref<128x40xf32, #tpu.memory_space<vmem>>, %arg3: memref<128x40xf32, #tpu.memory_space<vmem>>, %arg4: memref<128x40xf32, #tpu.memory_space<vmem>>, %arg5: memref<128x64xf32, #tpu.memory_space<vmem>>, %arg6: memref<128x1000xf32, #tpu.memory_space<vmem>>, %arg7: memref<3x256xf32, #tpu.memory_space<vmem>>, %arg8: memref<2x256xf32, #tpu.memory_space<vmem>>, %arg9: memref<4x40x25x256xf32, #tpu.memory_space<vmem>>, %arg10: memref<4x64x256xf32, #tpu.memory_space<vmem>>, %arg11: memref<64x256xf32, #tpu.memory_space<vmem>>, %arg12: memref<1280x40xf32, #tpu.memory_space<vmem>>) attributes {dimension_semantics = [#tpu.dimension_semantics<arbitrary>], iteration_bounds = array<i64: 32>, scalar_prefetch = 0 : i64, scratch_operands = 2 : i64, tpu.core_type = #tpu.core_type<tc>, window_params = [{transform_indices = @transform_0, window_bounds = array<i64: 4, 40, 25, 64>}, {pipeline_mode = #tpu.pipeline_mode<synchronous>, transform_indices = @transform_1, window_bounds = array<i64: 128, 40>}, {pipeline_mode = #tpu.pipeline_mode<synchronous>, transform_indices = @transform_2, window_bounds = array<i64: 128, 40>}, {pipeline_mode = #tpu.pipeline_mode<synchronous>, transform_indices = @transform_3, window_bounds = array<i64: 128, 40>}, {pipeline_mode = #tpu.pipeline_mode<synchronous>, transform_indices = @transform_4, window_bounds = array<i64: 128, 64>}, {pipeline_mode = #tpu.pipeline_mode<synchronous>, transform_indices = @transform_5, window_bounds = array<i64: 128, 1000>}, {pipeline_mode = #tpu.pipeline_mode<synchronous>, transform_indices = @transform_6, window_bounds = array<i64: 3, 256>}, {pipeline_mode = #tpu.pipeline_mode<synchronous>, transform_indices = @transform_7, window_bounds = array<i64: 2, 256>}, {transform_indices = @transform_8, window_bounds = array<i64: 4, 40, 25, 256>}, {transform_indices = @transform_9, window_bounds = array<i64: 4, 64, 256>}]} {
    %eq3A = arith.constant 0 : i32
    %eq3A_0 = arith.cmpi eq, %arg0, %eq3A : i32
    %convert_element_type3A = arith.extui %eq3A_0 : i1 to i32
    %cond3A = arith.constant 0 : i32
    %cond3A_1 = arith.cmpi ne, %convert_element_type3A, %cond3A : i32
    scf.if %cond3A_1 {
      %iota3A_405 = tpu.iota {dimensions = array<i32: 0>} : vector<64x256xi32>
      %iota3A_406 = tpu.iota {dimensions = array<i32: 1>} : vector<64x256xi32>
      %and3A_407 = arith.constant 1 : i32
      %and3A_408 = vector.broadcast %and3A_407 : i32 to vector<64x256xi32>
      %and3A_409 = arith.andi %iota3A_406, %and3A_408 : vector<64x256xi32>
      %convert_element_type3A_410 = arith.sitofp %and3A_409 : vector<64x256xi32> to vector<64x256xf32>
      %and3A_411 = arith.constant 1 : i32
      %and3A_412 = vector.broadcast %and3A_411 : i32 to vector<64x256xi32>
      %and3A_413 = arith.andi %iota3A_406, %and3A_412 : vector<64x256xi32>
      %sub3A_414 = arith.subi %iota3A_406, %and3A_413 : vector<64x256xi32>
      %convert_element_type3A_415 = arith.sitofp %sub3A_414 : vector<64x256xi32> to vector<64x256xf32>
      %convert_element_type3A_416 = arith.sitofp %iota3A_405 : vector<64x256xi32> to vector<64x256xf32>
      %mul3A_417 = arith.constant -0.0359778926 : f32
      %mul3A_418 = vector.broadcast %mul3A_417 : f32 to vector<64x256xf32>
      %mul3A_419 = arith.mulf %convert_element_type3A_415, %mul3A_418 : vector<64x256xf32>
      %exp3A = math.exp %mul3A_419 : vector<64x256xf32>
      %mul3A_420 = arith.mulf %convert_element_type3A_416, %exp3A : vector<64x256xf32>
      %mul3A_421 = arith.constant 1.57079637 : f32
      %mul3A_422 = vector.broadcast %mul3A_421 : f32 to vector<64x256xf32>
      %mul3A_423 = arith.mulf %convert_element_type3A_410, %mul3A_422 : vector<64x256xf32>
      %add3A_424 = arith.addf %mul3A_420, %mul3A_423 : vector<64x256xf32>
      %sin3A = math.sin %add3A_424 : vector<64x256xf32>
      %get3A_425 = arith.constant 0 : index
      %get3A_426 = arith.constant 0 : index
      %get3A_427 = vector.load %arg7[%get3A_425, %get3A_426] : memref<3x256xf32, #tpu.memory_space<vmem>>, vector<3x256xf32>
      %eq3A_428 = arith.constant 61 : i32
      %eq3A_429 = vector.broadcast %eq3A_428 : i32 to vector<64x256xi32>
      %eq3A_430 = arith.cmpi eq, %iota3A_405, %eq3A_429 : vector<64x256xi32>
      %slice3A_431 = vector.extract_strided_slice %get3A_427 {offsets = [0, 0], sizes = [1, 256], strides = [1, 1]} : vector<3x256xf32> to vector<1x256xf32>
      %broadcast_in_dim3A_432 = vector.shape_cast %slice3A_431 : vector<1x256xf32> to vector<1x256xf32>
      %broadcast_in_dim3A_433 = vector.broadcast %broadcast_in_dim3A_432 : vector<1x256xf32> to vector<64x256xf32>
      %select_n3A_434 = arith.select %eq3A_430, %broadcast_in_dim3A_433, %sin3A : vector<64x256xi1>, vector<64x256xf32>
      %eq3A_435 = arith.constant 62 : i32
      %eq3A_436 = vector.broadcast %eq3A_435 : i32 to vector<64x256xi32>
      %eq3A_437 = arith.cmpi eq, %iota3A_405, %eq3A_436 : vector<64x256xi32>
      %slice3A_438 = vector.extract_strided_slice %get3A_427 {offsets = [1, 0], sizes = [1, 256], strides = [1, 1]} : vector<3x256xf32> to vector<1x256xf32>
      %broadcast_in_dim3A_439 = vector.shape_cast %slice3A_438 : vector<1x256xf32> to vector<1x256xf32>
      %broadcast_in_dim3A_440 = vector.broadcast %broadcast_in_dim3A_439 : vector<1x256xf32> to vector<64x256xf32>
      %select_n3A_441 = arith.select %eq3A_437, %broadcast_in_dim3A_440, %select_n3A_434 : vector<64x256xi1>, vector<64x256xf32>
      %eq3A_442 = arith.constant 63 : i32
      %eq3A_443 = vector.broadcast %eq3A_442 : i32 to vector<64x256xi32>
      %eq3A_444 = arith.cmpi eq, %iota3A_405, %eq3A_443 : vector<64x256xi32>
      %slice3A_445 = vector.extract_strided_slice %get3A_427 {offsets = [2, 0], sizes = [1, 256], strides = [1, 1]} : vector<3x256xf32> to vector<1x256xf32>
      %broadcast_in_dim3A_446 = vector.shape_cast %slice3A_445 : vector<1x256xf32> to vector<1x256xf32>
      %broadcast_in_dim3A_447 = vector.broadcast %broadcast_in_dim3A_446 : vector<1x256xf32> to vector<64x256xf32>
      %select_n3A_448 = arith.select %eq3A_444, %broadcast_in_dim3A_447, %select_n3A_441 : vector<64x256xi1>, vector<64x256xf32>
      %swap3A_449 = arith.constant 0 : index
      %swap3A_450 = arith.constant 0 : index
      %swap3A_451 = vector.load %arg11[%swap3A_449, %swap3A_450] : memref<64x256xf32, #tpu.memory_space<vmem>>, vector<64x256xf32>
      tpu.vector_store %arg11[%swap3A_449, %swap3A_450], %select_n3A_448 {strides = array<i32>} : memref<64x256xf32, #tpu.memory_space<vmem>>, vector<64x256xf32>,
      %iota3A_452 = tpu.iota {dimensions = array<i32: 0>} : vector<1280x1xi32>
      %iota3A_453 = tpu.iota {dimensions = array<i32: 1>} : vector<1280x40xi32>
      %shift_right_arithmetic3A = arith.constant 5 : i32
      %shift_right_arithmetic3A_454 = vector.broadcast %shift_right_arithmetic3A : i32 to vector<1280x1xi32>
      %shift_right_arithmetic3A_455 = arith.shrsi %iota3A_452, %shift_right_arithmetic3A_454 : vector<1280x1xi32>
      %eq3A_456 = vector.broadcast %shift_right_arithmetic3A_455 : vector<1280x1xi32> to vector<1280x40xi32>
      %eq3A_457 = arith.cmpi eq, %iota3A_453, %eq3A_456 : vector<1280x40xi32>
      %convert_element_type3A_458 = arith.extui %eq3A_457 : vector<1280x40xi1> to vector<1280x40xi32>
      %convert_element_type3A_459 = arith.sitofp %convert_element_type3A_458 : vector<1280x40xi32> to vector<1280x40xf32>
      %swap3A_460 = arith.constant 0 : index
      %swap3A_461 = arith.constant 0 : index
      %swap3A_462 = vector.load %arg12[%swap3A_460, %swap3A_461] : memref<1280x40xf32, #tpu.memory_space<vmem>>, vector<1280x40xf32>
      tpu.vector_store %arg12[%swap3A_460, %swap3A_461], %convert_element_type3A_459 {strides = array<i32>} : memref<1280x40xf32, #tpu.memory_space<vmem>>, vector<1280x40xf32>,
    } else {
    }
    %get3A = arith.constant 0 : index
    %get3A_2 = arith.constant 0 : index
    %get3A_3 = arith.constant 0 : index
    %get3A_4 = arith.constant 0 : index
    %get3A_5 = vector.load %arg1[%get3A, %get3A_2, %get3A_3, %get3A_4] : memref<4x40x25x64xf32, #tpu.memory_space<vmem>>, vector<4x40x25x64xf32>
    %broadcast_in_dim3A = arith.constant 0.000000e+00 : f32
    %broadcast_in_dim3A_6 = vector.broadcast %broadcast_in_dim3A : f32 to vector<4x40x7x64xf32>
    %concatenate3A = tpu.concatenate %get3A_5, %broadcast_in_dim3A_6 in 2 : vector<4x40x25x64xf32>, vector<4x40x7x64xf32> -> vector<4x40x32x64xf32>
    %reshape3A = vector.shape_cast %concatenate3A : vector<4x40x32x64xf32> to vector<5120x64xf32>
    %gt3A = arith.constant 0.000000e+00 : f32
    %gt3A_7 = vector.broadcast %gt3A : f32 to vector<5120x64xf32>
    %gt3A_8 = arith.cmpf ogt, %reshape3A, %gt3A_7 : vector<5120x64xf32>
    %convert_element_type3A_9 = arith.extui %gt3A_8 : vector<5120x64xi1> to vector<5120x64xi32>
    %convert_element_type3A_10 = arith.sitofp %convert_element_type3A_9 : vector<5120x64xi32> to vector<5120x64xf32>
    %broadcast_in_dim3A_11 = arith.constant 1.562500e-04 : f32
    %broadcast_in_dim3A_12 = vector.broadcast %broadcast_in_dim3A_11 : f32 to vector<64x1xf32>
    %broadcast_in_dim3A_13 = arith.constant 1.562500e-02 : f32
    %broadcast_in_dim3A_14 = vector.broadcast %broadcast_in_dim3A_13 : f32 to vector<64x1xf32>
    %dot_general3A = arith.constant dense<0.000000e+00> : vector<5120x1xf32>
    %dot_general3A_15 = tpu.matmul %reshape3A, %broadcast_in_dim3A_12, %dot_general3A {dimension_numbers = #tpu.dot_dimension_numbers<[1], [0], [0], [1], [0, 0, 1, 1], [], []>, transpose_lhs_hint = false} : vector<5120x64xf32>, vector<64x1xf32>, vector<5120x1xf32> -> vector<5120x1xf32>
    %dot_general3A_16 = arith.constant dense<0.000000e+00> : vector<5120x1xf32>
    %dot_general3A_17 = tpu.matmul %convert_element_type3A_10, %broadcast_in_dim3A_14, %dot_general3A_16 {dimension_numbers = #tpu.dot_dimension_numbers<[1], [0], [0], [1], [0, 0, 1, 1], [], []>, transpose_lhs_hint = false} : vector<5120x64xf32>, vector<64x1xf32>, vector<5120x1xf32> -> vector<5120x1xf32>
    %iota3A = tpu.iota {dimensions = array<i32: 0>} : vector<5120x1xi32>
    %and3A = arith.constant 31 : i32
    %and3A_18 = vector.broadcast %and3A : i32 to vector<5120x1xi32>
    %and3A_19 = arith.andi %iota3A, %and3A_18 : vector<5120x1xi32>
    %convert_element_type3A_20 = arith.sitofp %and3A_19 : vector<5120x1xi32> to vector<5120x1xf32>
    %get3A_21 = arith.constant 0 : index
    %get3A_22 = arith.constant 0 : index
    %get3A_23 = vector.load %arg12[%get3A_21, %get3A_22] : memref<1280x40xf32, #tpu.memory_space<vmem>>, vector<1280x40xf32>
    %mul3A = arith.constant 4 : i32
    %mul3A_24 = arith.muli %arg0, %mul3A : i32
    %add3A = arith.constant 0 : i32
    %add3A_25 = arith.addi %mul3A_24, %add3A : i32
    %get3A_26 = arith.index_cast %add3A_25 : i32 to index
    %get3A_27 = arith.constant 0 : index
    %get3A_28 = vector.load %arg2[%get3A_26, %get3A_27] : memref<128x40xf32, #tpu.memory_space<vmem>>, vector<1x40xf32>
    %mul3A_29 = arith.constant 4 : i32
    %mul3A_30 = arith.muli %arg0, %mul3A_29 : i32
    %add3A_31 = arith.constant 0 : i32
    %add3A_32 = arith.addi %mul3A_30, %add3A_31 : i32
    %get3A_33 = arith.index_cast %add3A_32 : i32 to index
    %get3A_34 = arith.constant 0 : index
    %get3A_35 = vector.load %arg3[%get3A_33, %get3A_34] : memref<128x40xf32, #tpu.memory_space<vmem>>, vector<1x40xf32>
    %mul3A_36 = arith.constant 4 : i32
    %mul3A_37 = arith.muli %arg0, %mul3A_36 : i32
    %add3A_38 = arith.constant 0 : i32
    %add3A_39 = arith.addi %mul3A_37, %add3A_38 : i32
    %get3A_40 = arith.index_cast %add3A_39 : i32 to index
    %get3A_41 = arith.constant 0 : index
    %get3A_42 = vector.load %arg4[%get3A_40, %get3A_41] : memref<128x40xf32, #tpu.memory_space<vmem>>, vector<1x40xf32>
    %gt3A_43 = arith.constant 0.000000e+00 : f32
    %gt3A_44 = vector.broadcast %gt3A_43 : f32 to vector<1x40xf32>
    %gt3A_45 = arith.cmpf ogt, %get3A_42, %gt3A_44 : vector<1x40xf32>
    %reduce_min3A = vector.shape_cast %get3A_35 : vector<1x40xf32> to vector<1x1x40xf32>
    %reduce_min3A_46 = arith.constant dense<0x7F800000> : vector<1xf32>
    %reduce_min3A_47 = vector.multi_reduction <minimumf>, %reduce_min3A, %reduce_min3A_46 [1, 2] : vector<1x1x40xf32> to vector<1xf32>
    %reduce_min3A_48 = vector.shape_cast %reduce_min3A_47 : vector<1xf32> to vector<1x1x1xf32>
    %reduce_min3A_49 = vector.extract %reduce_min3A_48[0, 0, 0] : f32 from vector<1x1x1xf32>
    %sub3A = vector.broadcast %reduce_min3A_49 : f32 to vector<1x40xf32>
    %sub3A_50 = arith.subf %get3A_35, %sub3A : vector<1x40xf32>
    %jit3A = arith.constant 0.000000e+00 : f32
    %broadcast_in_dim3A_51 = vector.broadcast %jit3A : f32 to vector<1x40xf32>
    %select_n3A = arith.select %gt3A_45, %broadcast_in_dim3A_51, %sub3A_50 : vector<1x40xi1>, vector<1x40xf32>
    %concatenate3A_52 = tpu.concatenate %get3A_28, %select_n3A in 0 : vector<1x40xf32>, vector<1x40xf32> -> vector<2x40xf32>
    %dot_general3A_53 = arith.constant dense<0.000000e+00> : vector<1280x2xf32>
    %dot_general3A_54 = tpu.matmul %get3A_23, %concatenate3A_52, %dot_general3A_53 {dimension_numbers = #tpu.dot_dimension_numbers<[1], [1], [0], [0], [0, 0, 1, 0], [], []>, transpose_lhs_hint = false} : vector<1280x40xf32>, vector<2x40xf32>, vector<1280x2xf32> -> vector<1280x2xf32>
    %mul3A_55 = arith.constant 4 : i32
    %mul3A_56 = arith.muli %arg0, %mul3A_55 : i32
    %add3A_57 = arith.constant 1 : i32
    %add3A_58 = arith.addi %mul3A_56, %add3A_57 : i32
    %get3A_59 = arith.index_cast %add3A_58 : i32 to index
    %get3A_60 = arith.constant 0 : index
    %get3A_61 = vector.load %arg2[%get3A_59, %get3A_60] : memref<128x40xf32, #tpu.memory_space<vmem>>, vector<1x40xf32>
    %mul3A_62 = arith.constant 4 : i32
    %mul3A_63 = arith.muli %arg0, %mul3A_62 : i32
    %add3A_64 = arith.constant 1 : i32
    %add3A_65 = arith.addi %mul3A_63, %add3A_64 : i32
    %get3A_66 = arith.index_cast %add3A_65 : i32 to index
    %get3A_67 = arith.constant 0 : index
    %get3A_68 = vector.load %arg3[%get3A_66, %get3A_67] : memref<128x40xf32, #tpu.memory_space<vmem>>, vector<1x40xf32>
    %mul3A_69 = arith.constant 4 : i32
    %mul3A_70 = arith.muli %arg0, %mul3A_69 : i32
    %add3A_71 = arith.constant 1 : i32
    %add3A_72 = arith.addi %mul3A_70, %add3A_71 : i32
    %get3A_73 = arith.index_cast %add3A_72 : i32 to index
    %get3A_74 = arith.constant 0 : index
    %get3A_75 = vector.load %arg4[%get3A_73, %get3A_74] : memref<128x40xf32, #tpu.memory_space<vmem>>, vector<1x40xf32>
    %gt3A_76 = arith.constant 0.000000e+00 : f32
    %gt3A_77 = vector.broadcast %gt3A_76 : f32 to vector<1x40xf32>
    %gt3A_78 = arith.cmpf ogt, %get3A_75, %gt3A_77 : vector<1x40xf32>
    %reduce_min3A_79 = vector.shape_cast %get3A_68 : vector<1x40xf32> to vector<1x1x40xf32>
    %reduce_min3A_80 = arith.constant dense<0x7F800000> : vector<1xf32>
    %reduce_min3A_81 = vector.multi_reduction <minimumf>, %reduce_min3A_79, %reduce_min3A_80 [1, 2] : vector<1x1x40xf32> to vector<1xf32>
    %reduce_min3A_82 = vector.shape_cast %reduce_min3A_81 : vector<1xf32> to vector<1x1x1xf32>
    %reduce_min3A_83 = vector.extract %reduce_min3A_82[0, 0, 0] : f32 from vector<1x1x1xf32>
    %sub3A_84 = vector.broadcast %reduce_min3A_83 : f32 to vector<1x40xf32>
    %sub3A_85 = arith.subf %get3A_68, %sub3A_84 : vector<1x40xf32>
    %jit3A_86 = arith.constant 0.000000e+00 : f32
    %broadcast_in_dim3A_87 = vector.broadcast %jit3A_86 : f32 to vector<1x40xf32>
    %select_n3A_88 = arith.select %gt3A_78, %broadcast_in_dim3A_87, %sub3A_85 : vector<1x40xi1>, vector<1x40xf32>
    %concatenate3A_89 = tpu.concatenate %get3A_61, %select_n3A_88 in 0 : vector<1x40xf32>, vector<1x40xf32> -> vector<2x40xf32>
    %dot_general3A_90 = arith.constant dense<0.000000e+00> : vector<1280x2xf32>
    %dot_general3A_91 = tpu.matmul %get3A_23, %concatenate3A_89, %dot_general3A_90 {dimension_numbers = #tpu.dot_dimension_numbers<[1], [1], [0], [0], [0, 0, 1, 0], [], []>, transpose_lhs_hint = false} : vector<1280x40xf32>, vector<2x40xf32>, vector<1280x2xf32> -> vector<1280x2xf32>
    %mul3A_92 = arith.constant 4 : i32
    %mul3A_93 = arith.muli %arg0, %mul3A_92 : i32
    %add3A_94 = arith.constant 2 : i32
    %add3A_95 = arith.addi %mul3A_93, %add3A_94 : i32
    %get3A_96 = arith.index_cast %add3A_95 : i32 to index
    %get3A_97 = arith.constant 0 : index
    %get3A_98 = vector.load %arg2[%get3A_96, %get3A_97] : memref<128x40xf32, #tpu.memory_space<vmem>>, vector<1x40xf32>
    %mul3A_99 = arith.constant 4 : i32
    %mul3A_100 = arith.muli %arg0, %mul3A_99 : i32
    %add3A_101 = arith.constant 2 : i32
    %add3A_102 = arith.addi %mul3A_100, %add3A_101 : i32
    %get3A_103 = arith.index_cast %add3A_102 : i32 to index
    %get3A_104 = arith.constant 0 : index
    %get3A_105 = vector.load %arg3[%get3A_103, %get3A_104] : memref<128x40xf32, #tpu.memory_space<vmem>>, vector<1x40xf32>
    %mul3A_106 = arith.constant 4 : i32
    %mul3A_107 = arith.muli %arg0, %mul3A_106 : i32
    %add3A_108 = arith.constant 2 : i32
    %add3A_109 = arith.addi %mul3A_107, %add3A_108 : i32
    %get3A_110 = arith.index_cast %add3A_109 : i32 to index
    %get3A_111 = arith.constant 0 : index
    %get3A_112 = vector.load %arg4[%get3A_110, %get3A_111] : memref<128x40xf32, #tpu.memory_space<vmem>>, vector<1x40xf32>
    %gt3A_113 = arith.constant 0.000000e+00 : f32
    %gt3A_114 = vector.broadcast %gt3A_113 : f32 to vector<1x40xf32>
    %gt3A_115 = arith.cmpf ogt, %get3A_112, %gt3A_114 : vector<1x40xf32>
    %reduce_min3A_116 = vector.shape_cast %get3A_105 : vector<1x40xf32> to vector<1x1x40xf32>
    %reduce_min3A_117 = arith.constant dense<0x7F800000> : vector<1xf32>
    %reduce_min3A_118 = vector.multi_reduction <minimumf>, %reduce_min3A_116, %reduce_min3A_117 [1, 2] : vector<1x1x40xf32> to vector<1xf32>
    %reduce_min3A_119 = vector.shape_cast %reduce_min3A_118 : vector<1xf32> to vector<1x1x1xf32>
    %reduce_min3A_120 = vector.extract %reduce_min3A_119[0, 0, 0] : f32 from vector<1x1x1xf32>
    %sub3A_121 = vector.broadcast %reduce_min3A_120 : f32 to vector<1x40xf32>
    %sub3A_122 = arith.subf %get3A_105, %sub3A_121 : vector<1x40xf32>
    %jit3A_123 = arith.constant 0.000000e+00 : f32
    %broadcast_in_dim3A_124 = vector.broadcast %jit3A_123 : f32 to vector<1x40xf32>
    %select_n3A_125 = arith.select %gt3A_115, %broadcast_in_dim3A_124, %sub3A_122 : vector<1x40xi1>, vector<1x40xf32>
    %concatenate3A_126 = tpu.concatenate %get3A_98, %select_n3A_125 in 0 : vector<1x40xf32>, vector<1x40xf32> -> vector<2x40xf32>
    %dot_general3A_127 = arith.constant dense<0.000000e+00> : vector<1280x2xf32>
    %dot_general3A_128 = tpu.matmul %get3A_23, %concatenate3A_126, %dot_general3A_127 {dimension_numbers = #tpu.dot_dimension_numbers<[1], [1], [0], [0], [0, 0, 1, 0], [], []>, transpose_lhs_hint = false} : vector<1280x40xf32>, vector<2x40xf32>, vector<1280x2xf32> -> vector<1280x2xf32>
    %mul3A_129 = arith.constant 4 : i32
    %mul3A_130 = arith.muli %arg0, %mul3A_129 : i32
    %add3A_131 = arith.constant 3 : i32
    %add3A_132 = arith.addi %mul3A_130, %add3A_131 : i32
    %get3A_133 = arith.index_cast %add3A_132 : i32 to index
    %get3A_134 = arith.constant 0 : index
    %get3A_135 = vector.load %arg2[%get3A_133, %get3A_134] : memref<128x40xf32, #tpu.memory_space<vmem>>, vector<1x40xf32>
    %mul3A_136 = arith.constant 4 : i32
    %mul3A_137 = arith.muli %arg0, %mul3A_136 : i32
    %add3A_138 = arith.constant 3 : i32
    %add3A_139 = arith.addi %mul3A_137, %add3A_138 : i32
    %get3A_140 = arith.index_cast %add3A_139 : i32 to index
    %get3A_141 = arith.constant 0 : index
    %get3A_142 = vector.load %arg3[%get3A_140, %get3A_141] : memref<128x40xf32, #tpu.memory_space<vmem>>, vector<1x40xf32>
    %mul3A_143 = arith.constant 4 : i32
    %mul3A_144 = arith.muli %arg0, %mul3A_143 : i32
    %add3A_145 = arith.constant 3 : i32
    %add3A_146 = arith.addi %mul3A_144, %add3A_145 : i32
    %get3A_147 = arith.index_cast %add3A_146 : i32 to index
    %get3A_148 = arith.constant 0 : index
    %get3A_149 = vector.load %arg4[%get3A_147, %get3A_148] : memref<128x40xf32, #tpu.memory_space<vmem>>, vector<1x40xf32>
    %gt3A_150 = arith.constant 0.000000e+00 : f32
    %gt3A_151 = vector.broadcast %gt3A_150 : f32 to vector<1x40xf32>
    %gt3A_152 = arith.cmpf ogt, %get3A_149, %gt3A_151 : vector<1x40xf32>
    %reduce_min3A_153 = vector.shape_cast %get3A_142 : vector<1x40xf32> to vector<1x1x40xf32>
    %reduce_min3A_154 = arith.constant dense<0x7F800000> : vector<1xf32>
    %reduce_min3A_155 = vector.multi_reduction <minimumf>, %reduce_min3A_153, %reduce_min3A_154 [1, 2] : vector<1x1x40xf32> to vector<1xf32>
    %reduce_min3A_156 = vector.shape_cast %reduce_min3A_155 : vector<1xf32> to vector<1x1x1xf32>
    %reduce_min3A_157 = vector.extract %reduce_min3A_156[0, 0, 0] : f32 from vector<1x1x1xf32>
    %sub3A_158 = vector.broadcast %reduce_min3A_157 : f32 to vector<1x40xf32>
    %sub3A_159 = arith.subf %get3A_142, %sub3A_158 : vector<1x40xf32>
    %jit3A_160 = arith.constant 0.000000e+00 : f32
    %broadcast_in_dim3A_161 = vector.broadcast %jit3A_160 : f32 to vector<1x40xf32>
    %select_n3A_162 = arith.select %gt3A_152, %broadcast_in_dim3A_161, %sub3A_159 : vector<1x40xi1>, vector<1x40xf32>
    %concatenate3A_163 = tpu.concatenate %get3A_135, %select_n3A_162 in 0 : vector<1x40xf32>, vector<1x40xf32> -> vector<2x40xf32>
    %dot_general3A_164 = arith.constant dense<0.000000e+00> : vector<1280x2xf32>
    %dot_general3A_165 = tpu.matmul %get3A_23, %concatenate3A_163, %dot_general3A_164 {dimension_numbers = #tpu.dot_dimension_numbers<[1], [1], [0], [0], [0, 0, 1, 0], [], []>, transpose_lhs_hint = false} : vector<1280x40xf32>, vector<2x40xf32>, vector<1280x2xf32> -> vector<1280x2xf32>
    %concatenate3A_166 = tpu.concatenate %dot_general3A_54, %dot_general3A_91, %dot_general3A_128, %dot_general3A_165 in 0 : vector<1280x2xf32>, vector<1280x2xf32>, vector<1280x2xf32>, vector<1280x2xf32> -> vector<5120x2xf32>
    %slice3A = vector.extract_strided_slice %concatenate3A_166 {offsets = [0, 0], sizes = [5120, 1], strides = [1, 1]} : vector<5120x2xf32> to vector<5120x1xf32>
    %slice3A_167 = vector.extract_strided_slice %concatenate3A_166 {offsets = [0, 1], sizes = [5120, 1], strides = [1, 1]} : vector<5120x2xf32> to vector<5120x1xf32>
    %eq3A_168 = arith.cmpf oeq, %convert_element_type3A_20, %slice3A : vector<5120x1xf32>
    %jit3A_169 = arith.constant 0.000000e+00 : f32
    %broadcast_in_dim3A_170 = vector.broadcast %jit3A_169 : f32 to vector<5120x1xf32>
    %select_n3A_171 = arith.select %eq3A_168, %slice3A_167, %broadcast_in_dim3A_170 : vector<5120x1xi1>, vector<5120x1xf32>
    %mul3A_172 = arith.constant 0.00999999977 : f32
    %mul3A_173 = vector.broadcast %mul3A_172 : f32 to vector<5120x1xf32>
    %mul3A_174 = arith.mulf %select_n3A_171, %mul3A_173 : vector<5120x1xf32>
    %add3A_175 = arith.addf %convert_element_type3A_20, %slice3A : vector<5120x1xf32>
    %iota3A_176 = tpu.iota {dimensions = array<i32: 1>} : vector<5120x64xi32>
    %eq3A_177 = arith.constant 61 : i32
    %eq3A_178 = vector.broadcast %eq3A_177 : i32 to vector<5120x64xi32>
    %eq3A_179 = arith.cmpi eq, %iota3A_176, %eq3A_178 : vector<5120x64xi32>
    %eq3A_180 = arith.constant 62 : i32
    %eq3A_181 = vector.broadcast %eq3A_180 : i32 to vector<5120x64xi32>
    %eq3A_182 = arith.cmpi eq, %iota3A_176, %eq3A_181 : vector<5120x64xi32>
    %eq3A_183 = arith.constant 63 : i32
    %eq3A_184 = vector.broadcast %eq3A_183 : i32 to vector<5120x64xi32>
    %eq3A_185 = arith.cmpi eq, %iota3A_176, %eq3A_184 : vector<5120x64xi32>
    %convert_element_type3A_186 = arith.sitofp %iota3A_176 : vector<5120x64xi32> to vector<5120x64xf32>
    %eq3A_187 = vector.broadcast %add3A_175 : vector<5120x1xf32> to vector<5120x64xf32>
    %eq3A_188 = arith.cmpf oeq, %eq3A_187, %convert_element_type3A_186 : vector<5120x64xf32>
    %convert_element_type3A_189 = arith.extui %eq3A_188 : vector<5120x64xi1> to vector<5120x64xi32>
    %convert_element_type3A_190 = arith.sitofp %convert_element_type3A_189 : vector<5120x64xi32> to vector<5120x64xf32>
    %broadcast_in_dim3A_191 = vector.shape_cast %mul3A_174 : vector<5120x1xf32> to vector<5120x1xf32>
    %broadcast_in_dim3A_192 = vector.broadcast %broadcast_in_dim3A_191 : vector<5120x1xf32> to vector<5120x64xf32>
    %select_n3A_193 = arith.select %eq3A_185, %broadcast_in_dim3A_192, %convert_element_type3A_190 : vector<5120x64xi1>, vector<5120x64xf32>
    %broadcast_in_dim3A_194 = vector.shape_cast %dot_general3A_17 : vector<5120x1xf32> to vector<5120x1xf32>
    %broadcast_in_dim3A_195 = vector.broadcast %broadcast_in_dim3A_194 : vector<5120x1xf32> to vector<5120x64xf32>
    %select_n3A_196 = arith.select %eq3A_182, %broadcast_in_dim3A_195, %select_n3A_193 : vector<5120x64xi1>, vector<5120x64xf32>
    %broadcast_in_dim3A_197 = vector.shape_cast %dot_general3A_15 : vector<5120x1xf32> to vector<5120x1xf32>
    %broadcast_in_dim3A_198 = vector.broadcast %broadcast_in_dim3A_197 : vector<5120x1xf32> to vector<5120x64xf32>
    %select_n3A_199 = arith.select %eq3A_179, %broadcast_in_dim3A_198, %select_n3A_196 : vector<5120x64xi1>, vector<5120x64xf32>
    %get3A_200 = arith.constant 0 : index
    %get3A_201 = arith.constant 0 : index
    %get3A_202 = vector.load %arg11[%get3A_200, %get3A_201] : memref<64x256xf32, #tpu.memory_space<vmem>>, vector<64x256xf32>
    %dot_general3A_203 = arith.constant dense<0.000000e+00> : vector<5120x256xf32>
    %dot_general3A_204 = tpu.matmul %select_n3A_199, %get3A_202, %dot_general3A_203 {dimension_numbers = #tpu.dot_dimension_numbers<[1], [0], [0], [1], [0, 0, 1, 1], [], []>, transpose_lhs_hint = false} : vector<5120x64xf32>, vector<64x256xf32>, vector<5120x256xf32> -> vector<5120x256xf32>
    %reshape3A_205 = vector.shape_cast %dot_general3A_204 : vector<5120x256xf32> to vector<160x32x256xf32>
    %slice3A_206 = vector.extract_strided_slice %reshape3A_205 {offsets = [0, 0, 0], sizes = [160, 25, 256], strides = [1, 1, 1]} : vector<160x32x256xf32> to vector<160x25x256xf32>
    %reshape3A_207 = vector.shape_cast %slice3A_206 : vector<160x25x256xf32> to vector<4x40x25x256xf32>
    %swap3A = arith.constant 0 : index
    %swap3A_208 = arith.constant 0 : index
    %swap3A_209 = arith.constant 0 : index
    %swap3A_210 = arith.constant 0 : index
    %swap3A_211 = vector.load %arg9[%swap3A, %swap3A_208, %swap3A_209, %swap3A_210] : memref<4x40x25x256xf32, #tpu.memory_space<vmem>>, vector<4x40x25x256xf32>
    tpu.vector_store %arg9[%swap3A, %swap3A_208, %swap3A_209, %swap3A_210], %reshape3A_207 {strides = array<i32>} : memref<4x40x25x256xf32, #tpu.memory_space<vmem>>, vector<4x40x25x256xf32>,
    %reshape3A_212 = vector.shape_cast %convert_element_type3A_10 : vector<5120x64xf32> to vector<4x1280x64xf32>
    %reduce_sum3A = arith.constant dense<0.000000e+00> : vector<4x64xf32>
    %reduce_sum3A_213 = vector.multi_reduction <add>, %reshape3A_212, %reduce_sum3A [1] : vector<4x1280x64xf32> to vector<4x64xf32>
    %mul3A_214 = arith.constant 4 : i32
    %mul3A_215 = arith.muli %arg0, %mul3A_214 : i32
    %add3A_216 = arith.constant 0 : i32
    %add3A_217 = arith.addi %mul3A_215, %add3A_216 : i32
    %get3A_218 = arith.index_cast %add3A_217 : i32 to index
    %get3A_219 = arith.constant 0 : index
    %get3A_220 = vector.load %arg5[%get3A_218, %get3A_219] : memref<128x64xf32, #tpu.memory_space<vmem>>, vector<1x64xf32>
    %reduce_min3A_221 = vector.shape_cast %get3A_220 : vector<1x64xf32> to vector<1x1x64xf32>
    %reduce_min3A_222 = arith.constant dense<0x7F800000> : vector<1xf32>
    %reduce_min3A_223 = vector.multi_reduction <minimumf>, %reduce_min3A_221, %reduce_min3A_222 [1, 2] : vector<1x1x64xf32> to vector<1xf32>
    %reduce_min3A_224 = vector.shape_cast %reduce_min3A_223 : vector<1xf32> to vector<1x1x1xf32>
    %reduce_min3A_225 = vector.extract %reduce_min3A_224[0, 0, 0] : f32 from vector<1x1x1xf32>
    %sub3A_226 = vector.broadcast %reduce_min3A_225 : f32 to vector<1x64xf32>
    %sub3A_227 = arith.subf %get3A_220, %sub3A_226 : vector<1x64xf32>
    %mul3A_228 = arith.constant 0.00999999977 : f32
    %mul3A_229 = vector.broadcast %mul3A_228 : f32 to vector<1x64xf32>
    %mul3A_230 = arith.mulf %sub3A_227, %mul3A_229 : vector<1x64xf32>
    %mul3A_231 = arith.constant 4 : i32
    %mul3A_232 = arith.muli %arg0, %mul3A_231 : i32
    %add3A_233 = arith.constant 0 : i32
    %add3A_234 = arith.addi %mul3A_232, %add3A_233 : i32
    %get3A_235 = arith.index_cast %add3A_234 : i32 to index
    %get3A_236 = arith.constant 0 : index
    %get3A_237 = vector.load %arg6[%get3A_235, %get3A_236] : memref<128x1000xf32, #tpu.memory_space<vmem>>, vector<1x1000xf32>
    %reduce_sum3A_238 = vector.shape_cast %get3A_237 : vector<1x1000xf32> to vector<1x1x1000xf32>
    %reduce_sum3A_239 = arith.constant dense<0.000000e+00> : vector<1xf32>
    %reduce_sum3A_240 = vector.multi_reduction <add>, %reduce_sum3A_238, %reduce_sum3A_239 [1, 2] : vector<1x1x1000xf32> to vector<1xf32>
    %reduce_sum3A_241 = vector.shape_cast %reduce_sum3A_240 : vector<1xf32> to vector<1x1x1xf32>
    %reduce_sum3A_242 = vector.extract %reduce_sum3A_241[0, 0, 0] : f32 from vector<1x1x1xf32>
    %slice3A_243 = vector.extract_strided_slice %reduce_sum3A_213 {offsets = [0, 0], sizes = [1, 64], strides = [1, 1]} : vector<4x64xf32> to vector<1x64xf32>
    %add3A_244 = arith.constant 9.99999997E-7 : f32
    %add3A_245 = arith.addf %reduce_sum3A_242, %add3A_244 : f32
    %div3A = arith.constant 1.000000e+00 : f32
    %div3A_246 = arith.divf %div3A, %add3A_245 : f32
    %mul3A_247 = vector.broadcast %div3A_246 : f32 to vector<1x64xf32>
    %mul3A_248 = arith.mulf %slice3A_243, %mul3A_247 : vector<1x64xf32>
    %concatenate3A_249 = tpu.concatenate %mul3A_230, %mul3A_248 in 0 : vector<1x64xf32>, vector<1x64xf32> -> vector<2x64xf32>
    %get3A_250 = arith.constant 0 : index
    %get3A_251 = arith.constant 0 : index
    %get3A_252 = vector.load %arg8[%get3A_250, %get3A_251] : memref<2x256xf32, #tpu.memory_space<vmem>>, vector<2x256xf32>
    %dot_general3A_253 = arith.constant dense<0.000000e+00> : vector<64x256xf32>
    %dot_general3A_254 = tpu.matmul %concatenate3A_249, %get3A_252, %dot_general3A_253 {dimension_numbers = #tpu.dot_dimension_numbers<[0], [0], [1], [1], [0, 1, 1, 1], [], []>, transpose_lhs_hint = false} : vector<2x64xf32>, vector<2x256xf32>, vector<64x256xf32> -> vector<64x256xf32>
    %swap3A_255 = arith.constant 0 : index
    %swap3A_256 = arith.constant 0 : index
    %swap3A_257 = arith.constant 0 : index
    %swap3A_258 = vector.load %arg10[%swap3A_255, %swap3A_256, %swap3A_257] : memref<4x64x256xf32, #tpu.memory_space<vmem>>, vector<1x64x256xf32>
    %swap3A_259 = vector.shape_cast %swap3A_258 : vector<1x64x256xf32> to vector<64x256xf32>
    %swap3A_260 = vector.shape_cast %dot_general3A_254 : vector<64x256xf32> to vector<1x64x256xf32>
    tpu.vector_store %arg10[%swap3A_255, %swap3A_256, %swap3A_257], %swap3A_260 {strides = array<i32>} : memref<4x64x256xf32, #tpu.memory_space<vmem>>, vector<1x64x256xf32>,
    %mul3A_261 = arith.constant 4 : i32
    %mul3A_262 = arith.muli %arg0, %mul3A_261 : i32
    %add3A_263 = arith.constant 1 : i32
    %add3A_264 = arith.addi %mul3A_262, %add3A_263 : i32
    %get3A_265 = arith.index_cast %add3A_264 : i32 to index
    %get3A_266 = arith.constant 0 : index
    %get3A_267 = vector.load %arg5[%get3A_265, %get3A_266] : memref<128x64xf32, #tpu.memory_space<vmem>>, vector<1x64xf32>
    %reduce_min3A_268 = vector.shape_cast %get3A_267 : vector<1x64xf32> to vector<1x1x64xf32>
    %reduce_min3A_269 = arith.constant dense<0x7F800000> : vector<1xf32>
    %reduce_min3A_270 = vector.multi_reduction <minimumf>, %reduce_min3A_268, %reduce_min3A_269 [1, 2] : vector<1x1x64xf32> to vector<1xf32>
    %reduce_min3A_271 = vector.shape_cast %reduce_min3A_270 : vector<1xf32> to vector<1x1x1xf32>
    %reduce_min3A_272 = vector.extract %reduce_min3A_271[0, 0, 0] : f32 from vector<1x1x1xf32>
    %sub3A_273 = vector.broadcast %reduce_min3A_272 : f32 to vector<1x64xf32>
    %sub3A_274 = arith.subf %get3A_267, %sub3A_273 : vector<1x64xf32>
    %mul3A_275 = arith.constant 0.00999999977 : f32
    %mul3A_276 = vector.broadcast %mul3A_275 : f32 to vector<1x64xf32>
    %mul3A_277 = arith.mulf %sub3A_274, %mul3A_276 : vector<1x64xf32>
    %mul3A_278 = arith.constant 4 : i32
    %mul3A_279 = arith.muli %arg0, %mul3A_278 : i32
    %add3A_280 = arith.constant 1 : i32
    %add3A_281 = arith.addi %mul3A_279, %add3A_280 : i32
    %get3A_282 = arith.index_cast %add3A_281 : i32 to index
    %get3A_283 = arith.constant 0 : index
    %get3A_284 = vector.load %arg6[%get3A_282, %get3A_283] : memref<128x1000xf32, #tpu.memory_space<vmem>>, vector<1x1000xf32>
    %reduce_sum3A_285 = vector.shape_cast %get3A_284 : vector<1x1000xf32> to vector<1x1x1000xf32>
    %reduce_sum3A_286 = arith.constant dense<0.000000e+00> : vector<1xf32>
    %reduce_sum3A_287 = vector.multi_reduction <add>, %reduce_sum3A_285, %reduce_sum3A_286 [1, 2] : vector<1x1x1000xf32> to vector<1xf32>
    %reduce_sum3A_288 = vector.shape_cast %reduce_sum3A_287 : vector<1xf32> to vector<1x1x1xf32>
    %reduce_sum3A_289 = vector.extract %reduce_sum3A_288[0, 0, 0] : f32 from vector<1x1x1xf32>
    %slice3A_290 = vector.extract_strided_slice %reduce_sum3A_213 {offsets = [1, 0], sizes = [1, 64], strides = [1, 1]} : vector<4x64xf32> to vector<1x64xf32>
    %add3A_291 = arith.constant 9.99999997E-7 : f32
    %add3A_292 = arith.addf %reduce_sum3A_289, %add3A_291 : f32
    %div3A_293 = arith.constant 1.000000e+00 : f32
    %div3A_294 = arith.divf %div3A_293, %add3A_292 : f32
    %mul3A_295 = vector.broadcast %div3A_294 : f32 to vector<1x64xf32>
    %mul3A_296 = arith.mulf %slice3A_290, %mul3A_295 : vector<1x64xf32>
    %concatenate3A_297 = tpu.concatenate %mul3A_277, %mul3A_296 in 0 : vector<1x64xf32>, vector<1x64xf32> -> vector<2x64xf32>
    %get3A_298 = arith.constant 0 : index
    %get3A_299 = arith.constant 0 : index
    %get3A_300 = vector.load %arg8[%get3A_298, %get3A_299] : memref<2x256xf32, #tpu.memory_space<vmem>>, vector<2x256xf32>
    %dot_general3A_301 = arith.constant dense<0.000000e+00> : vector<64x256xf32>
    %dot_general3A_302 = tpu.matmul %concatenate3A_297, %get3A_300, %dot_general3A_301 {dimension_numbers = #tpu.dot_dimension_numbers<[0], [0], [1], [1], [0, 1, 1, 1], [], []>, transpose_lhs_hint = false} : vector<2x64xf32>, vector<2x256xf32>, vector<64x256xf32> -> vector<64x256xf32>
    %swap3A_303 = arith.constant 1 : index
    %swap3A_304 = arith.constant 0 : index
    %swap3A_305 = arith.constant 0 : index
    %swap3A_306 = vector.load %arg10[%swap3A_303, %swap3A_304, %swap3A_305] : memref<4x64x256xf32, #tpu.memory_space<vmem>>, vector<1x64x256xf32>
    %swap3A_307 = vector.shape_cast %swap3A_306 : vector<1x64x256xf32> to vector<64x256xf32>
    %swap3A_308 = vector.shape_cast %dot_general3A_302 : vector<64x256xf32> to vector<1x64x256xf32>
    tpu.vector_store %arg10[%swap3A_303, %swap3A_304, %swap3A_305], %swap3A_308 {strides = array<i32>} : memref<4x64x256xf32, #tpu.memory_space<vmem>>, vector<1x64x256xf32>,
    %mul3A_309 = arith.constant 4 : i32
    %mul3A_310 = arith.muli %arg0, %mul3A_309 : i32
    %add3A_311 = arith.constant 2 : i32
    %add3A_312 = arith.addi %mul3A_310, %add3A_311 : i32
    %get3A_313 = arith.index_cast %add3A_312 : i32 to index
    %get3A_314 = arith.constant 0 : index
    %get3A_315 = vector.load %arg5[%get3A_313, %get3A_314] : memref<128x64xf32, #tpu.memory_space<vmem>>, vector<1x64xf32>
    %reduce_min3A_316 = vector.shape_cast %get3A_315 : vector<1x64xf32> to vector<1x1x64xf32>
    %reduce_min3A_317 = arith.constant dense<0x7F800000> : vector<1xf32>
    %reduce_min3A_318 = vector.multi_reduction <minimumf>, %reduce_min3A_316, %reduce_min3A_317 [1, 2] : vector<1x1x64xf32> to vector<1xf32>
    %reduce_min3A_319 = vector.shape_cast %reduce_min3A_318 : vector<1xf32> to vector<1x1x1xf32>
    %reduce_min3A_320 = vector.extract %reduce_min3A_319[0, 0, 0] : f32 from vector<1x1x1xf32>
    %sub3A_321 = vector.broadcast %reduce_min3A_320 : f32 to vector<1x64xf32>
    %sub3A_322 = arith.subf %get3A_315, %sub3A_321 : vector<1x64xf32>
    %mul3A_323 = arith.constant 0.00999999977 : f32
    %mul3A_324 = vector.broadcast %mul3A_323 : f32 to vector<1x64xf32>
    %mul3A_325 = arith.mulf %sub3A_322, %mul3A_324 : vector<1x64xf32>
    %mul3A_326 = arith.constant 4 : i32
    %mul3A_327 = arith.muli %arg0, %mul3A_326 : i32
    %add3A_328 = arith.constant 2 : i32
    %add3A_329 = arith.addi %mul3A_327, %add3A_328 : i32
    %get3A_330 = arith.index_cast %add3A_329 : i32 to index
    %get3A_331 = arith.constant 0 : index
    %get3A_332 = vector.load %arg6[%get3A_330, %get3A_331] : memref<128x1000xf32, #tpu.memory_space<vmem>>, vector<1x1000xf32>
    %reduce_sum3A_333 = vector.shape_cast %get3A_332 : vector<1x1000xf32> to vector<1x1x1000xf32>
    %reduce_sum3A_334 = arith.constant dense<0.000000e+00> : vector<1xf32>
    %reduce_sum3A_335 = vector.multi_reduction <add>, %reduce_sum3A_333, %reduce_sum3A_334 [1, 2] : vector<1x1x1000xf32> to vector<1xf32>
    %reduce_sum3A_336 = vector.shape_cast %reduce_sum3A_335 : vector<1xf32> to vector<1x1x1xf32>
    %reduce_sum3A_337 = vector.extract %reduce_sum3A_336[0, 0, 0] : f32 from vector<1x1x1xf32>
    %slice3A_338 = vector.extract_strided_slice %reduce_sum3A_213 {offsets = [2, 0], sizes = [1, 64], strides = [1, 1]} : vector<4x64xf32> to vector<1x64xf32>
    %add3A_339 = arith.constant 9.99999997E-7 : f32
    %add3A_340 = arith.addf %reduce_sum3A_337, %add3A_339 : f32
    %div3A_341 = arith.constant 1.000000e+00 : f32
    %div3A_342 = arith.divf %div3A_341, %add3A_340 : f32
    %mul3A_343 = vector.broadcast %div3A_342 : f32 to vector<1x64xf32>
    %mul3A_344 = arith.mulf %slice3A_338, %mul3A_343 : vector<1x64xf32>
    %concatenate3A_345 = tpu.concatenate %mul3A_325, %mul3A_344 in 0 : vector<1x64xf32>, vector<1x64xf32> -> vector<2x64xf32>
    %get3A_346 = arith.constant 0 : index
    %get3A_347 = arith.constant 0 : index
    %get3A_348 = vector.load %arg8[%get3A_346, %get3A_347] : memref<2x256xf32, #tpu.memory_space<vmem>>, vector<2x256xf32>
    %dot_general3A_349 = arith.constant dense<0.000000e+00> : vector<64x256xf32>
    %dot_general3A_350 = tpu.matmul %concatenate3A_345, %get3A_348, %dot_general3A_349 {dimension_numbers = #tpu.dot_dimension_numbers<[0], [0], [1], [1], [0, 1, 1, 1], [], []>, transpose_lhs_hint = false} : vector<2x64xf32>, vector<2x256xf32>, vector<64x256xf32> -> vector<64x256xf32>
    %swap3A_351 = arith.constant 2 : index
    %swap3A_352 = arith.constant 0 : index
    %swap3A_353 = arith.constant 0 : index
    %swap3A_354 = vector.load %arg10[%swap3A_351, %swap3A_352, %swap3A_353] : memref<4x64x256xf32, #tpu.memory_space<vmem>>, vector<1x64x256xf32>
    %swap3A_355 = vector.shape_cast %swap3A_354 : vector<1x64x256xf32> to vector<64x256xf32>
    %swap3A_356 = vector.shape_cast %dot_general3A_350 : vector<64x256xf32> to vector<1x64x256xf32>
    tpu.vector_store %arg10[%swap3A_351, %swap3A_352, %swap3A_353], %swap3A_356 {strides = array<i32>} : memref<4x64x256xf32, #tpu.memory_space<vmem>>, vector<1x64x256xf32>,
    %mul3A_357 = arith.constant 4 : i32
    %mul3A_358 = arith.muli %arg0, %mul3A_357 : i32
    %add3A_359 = arith.constant 3 : i32
    %add3A_360 = arith.addi %mul3A_358, %add3A_359 : i32
    %get3A_361 = arith.index_cast %add3A_360 : i32 to index
    %get3A_362 = arith.constant 0 : index
    %get3A_363 = vector.load %arg5[%get3A_361, %get3A_362] : memref<128x64xf32, #tpu.memory_space<vmem>>, vector<1x64xf32>
    %reduce_min3A_364 = vector.shape_cast %get3A_363 : vector<1x64xf32> to vector<1x1x64xf32>
    %reduce_min3A_365 = arith.constant dense<0x7F800000> : vector<1xf32>
    %reduce_min3A_366 = vector.multi_reduction <minimumf>, %reduce_min3A_364, %reduce_min3A_365 [1, 2] : vector<1x1x64xf32> to vector<1xf32>
    %reduce_min3A_367 = vector.shape_cast %reduce_min3A_366 : vector<1xf32> to vector<1x1x1xf32>
    %reduce_min3A_368 = vector.extract %reduce_min3A_367[0, 0, 0] : f32 from vector<1x1x1xf32>
    %sub3A_369 = vector.broadcast %reduce_min3A_368 : f32 to vector<1x64xf32>
    %sub3A_370 = arith.subf %get3A_363, %sub3A_369 : vector<1x64xf32>
    %mul3A_371 = arith.constant 0.00999999977 : f32
    %mul3A_372 = vector.broadcast %mul3A_371 : f32 to vector<1x64xf32>
    %mul3A_373 = arith.mulf %sub3A_370, %mul3A_372 : vector<1x64xf32>
    %mul3A_374 = arith.constant 4 : i32
    %mul3A_375 = arith.muli %arg0, %mul3A_374 : i32
    %add3A_376 = arith.constant 3 : i32
    %add3A_377 = arith.addi %mul3A_375, %add3A_376 : i32
    %get3A_378 = arith.index_cast %add3A_377 : i32 to index
    %get3A_379 = arith.constant 0 : index
    %get3A_380 = vector.load %arg6[%get3A_378, %get3A_379] : memref<128x1000xf32, #tpu.memory_space<vmem>>, vector<1x1000xf32>
    %reduce_sum3A_381 = vector.shape_cast %get3A_380 : vector<1x1000xf32> to vector<1x1x1000xf32>
    %reduce_sum3A_382 = arith.constant dense<0.000000e+00> : vector<1xf32>
    %reduce_sum3A_383 = vector.multi_reduction <add>, %reduce_sum3A_381, %reduce_sum3A_382 [1, 2] : vector<1x1x1000xf32> to vector<1xf32>
    %reduce_sum3A_384 = vector.shape_cast %reduce_sum3A_383 : vector<1xf32> to vector<1x1x1xf32>
    %reduce_sum3A_385 = vector.extract %reduce_sum3A_384[0, 0, 0] : f32 from vector<1x1x1xf32>
    %slice3A_386 = vector.extract_strided_slice %reduce_sum3A_213 {offsets = [3, 0], sizes = [1, 64], strides = [1, 1]} : vector<4x64xf32> to vector<1x64xf32>
    %add3A_387 = arith.constant 9.99999997E-7 : f32
    %add3A_388 = arith.addf %reduce_sum3A_385, %add3A_387 : f32
    %div3A_389 = arith.constant 1.000000e+00 : f32
    %div3A_390 = arith.divf %div3A_389, %add3A_388 : f32
    %mul3A_391 = vector.broadcast %div3A_390 : f32 to vector<1x64xf32>
    %mul3A_392 = arith.mulf %slice3A_386, %mul3A_391 : vector<1x64xf32>
    %concatenate3A_393 = tpu.concatenate %mul3A_373, %mul3A_392 in 0 : vector<1x64xf32>, vector<1x64xf32> -> vector<2x64xf32>
    %get3A_394 = arith.constant 0 : index
    %get3A_395 = arith.constant 0 : index
    %get3A_396 = vector.load %arg8[%get3A_394, %get3A_395] : memref<2x256xf32, #tpu.memory_space<vmem>>, vector<2x256xf32>
    %dot_general3A_397 = arith.constant dense<0.000000e+00> : vector<64x256xf32>
    %dot_general3A_398 = tpu.matmul %concatenate3A_393, %get3A_396, %dot_general3A_397 {dimension_numbers = #tpu.dot_dimension_numbers<[0], [0], [1], [1], [0, 1, 1, 1], [], []>, transpose_lhs_hint = false} : vector<2x64xf32>, vector<2x256xf32>, vector<64x256xf32> -> vector<64x256xf32>
    %swap3A_399 = arith.constant 3 : index
    %swap3A_400 = arith.constant 0 : index
    %swap3A_401 = arith.constant 0 : index
    %swap3A_402 = vector.load %arg10[%swap3A_399, %swap3A_400, %swap3A_401] : memref<4x64x256xf32, #tpu.memory_space<vmem>>, vector<1x64x256xf32>
    %swap3A_403 = vector.shape_cast %swap3A_402 : vector<1x64x256xf32> to vector<64x256xf32>
    %swap3A_404 = vector.shape_cast %dot_general3A_398 : vector<64x256xf32> to vector<1x64x256xf32>
    tpu.vector_store %arg10[%swap3A_399, %swap3A_400, %swap3A_401], %swap3A_404 {strides = array<i32>} : memref<4x64x256xf32, #tpu.memory_space<vmem>>, vector<1x64x256xf32>,
    return
  }
  func.func @transform_0(%arg0: i32) -> (i32, i32, i32, i32) {
    %c0_i32 = arith.constant 0 : i32
    %c0_i32_0 = arith.constant 0 : i32
    %c0_i32_1 = arith.constant 0 : i32
    %c0_i32_2 = arith.constant 0 : i32
    return %arg0, %c0_i32, %c0_i32_0, %c0_i32_1 : i32, i32, i32, i32
  }
  func.func @transform_1(%arg0: i32) -> (i32, i32) {
    %c0_i32 = arith.constant 0 : i32
    %c0_i32_0 = arith.constant 0 : i32
    %c0_i32_1 = arith.constant 0 : i32
    return %c0_i32, %c0_i32_0 : i32, i32
  }
  func.func @transform_2(%arg0: i32) -> (i32, i32) {
    %c0_i32 = arith.constant 0 : i32
    %c0_i32_0 = arith.constant 0 : i32
    %c0_i32_1 = arith.constant 0 : i32
    return %c0_i32, %c0_i32_0 : i32, i32
  }
  func.func @transform_3(%arg0: i32) -> (i32, i32) {
    %c0_i32 = arith.constant 0 : i32
    %c0_i32_0 = arith.constant 0 : i32
    %c0_i32_1 = arith.constant 0 : i32
    return %c0_i32, %c0_i32_0 : i32, i32
  }
  func.func @transform_4(%arg0: i32) -> (i32, i32) {
    %c0_i32 = arith.constant 0 : i32
    %c0_i32_0 = arith.constant 0 : i32
    %c0_i32_1 = arith.constant 0 : i32
    return %c0_i32, %c0_i32_0 : i32, i32
  }
  func.func @transform_5(%arg0: i32) -> (i32, i32) {
    %c0_i32 = arith.constant 0 : i32
    %c0_i32_0 = arith.constant 0 : i32
    %c0_i32_1 = arith.constant 0 : i32
    return %c0_i32, %c0_i32_0 : i32, i32
  }
  func.func @transform_6(%arg0: i32) -> (i32, i32) {
    %c0_i32 = arith.constant 0 : i32
    %c0_i32_0 = arith.constant 0 : i32
    %c0_i32_1 = arith.constant 0 : i32
    return %c0_i32, %c0_i32_0 : i32, i32
  }
  func.func @transform_7(%arg0: i32) -> (i32, i32) {
    %c0_i32 = arith.constant 0 : i32
    %c0_i32_0 = arith.constant 0 : i32
    %c0_i32_1 = arith.constant 0 : i32
    return %c0_i32, %c0_i32_0 : i32, i32
  }
  func.func @transform_8(%arg0: i32) -> (i32, i32, i32, i32) {
    %c0_i32 = arith.constant 0 : i32
    %c0_i32_0 = arith.constant 0 : i32
    %c0_i32_1 = arith.constant 0 : i32
    %c0_i32_2 = arith.constant 0 : i32
    return %arg0, %c0_i32, %c0_i32_0, %c0_i32_1 : i32, i32, i32, i32
  }
  func.func @transform_9(%arg0: i32) -> (i32, i32, i32) {
    %c0_i32 = arith.constant 0 : i32
    %c0_i32_0 = arith.constant 0 : i32
    %c0_i32_1 = arith.constant 0 : i32
    return %arg0, %c0_i32, %c0_i32_0 : i32, i32, i32
  }
}

</mosaic_0001>

<sc_bundles>
// kernel: kernel.4.cloned.1.call-start
scs
__scs_entry_jumppad:
0x0: {  	(pc) =	sbr.rel $0x88, $3  }
0x1: {  	(tag) =	ssettag $0x0;
	lr =	simm.s32 $0x1  }
0x2: {  	[smem:$0x3F98] =	sst lr;
	_ =	strace $0xD0000000  }
0x3: {  	_ = 	snop  }
0x4: {  	_ = 	snop  }
0x5: {  	_ = 	snop  }
0x6: {  	_ = 	snop  }
0x7: {  	_ = 	snop  }
__scs_overlays_trampoline_lowered:
0x8: {  	[smem:$0x3FA7] =	sst s0  }
0x9: {  	[smem:$0x3FA8] =	sst s1  }
0xa: {  	[smem:$0x3FA9] =	sst s2  }
0xb: {  	[smem:$0x3FAA] =	sst s3  }
0xc: {  	[smem:$0x3FAB] =	sst s4  }
0xd: {  	[smem:$0x3FAC] =	sst s5  }
0xe: {  	[smem:$0x3FAD] =	sst s6  }
0xf: {  	[smem:$0x3FAE] =	sst s7  }
0x10: {  	[smem:$0x3FAF] =	sst s8  }
0x11: {  	[smem:$0x3FB0] =	sst s9;
	s0 =	simm.s32 @!p0 $0x0  }
0x12: {  	s1 =	sld [smem:$0x3F96];
	s0 =	simm.s32 @p0 $0x1  }
0x13: {  	[smem:$0x3FB1] =	sst s0;
	s0 =	simm.s32 @!p1 $0x0  }
0x14: {  	s2 =	sld [smem:$0x3F95];
	s0 =	simm.s32 @p1 $0x1  }
0x15: {  	[smem:$0x3FB2] =	sst s0;
	s0 =	simm.s32 @!p2 $0x0  }
0x16: {  	s3 =	sld [smem:$0x3FDB];
	s0 =	simm.s32 @p2 $0x1  }
0x17: {  	s4 =	simm.s32 $0x1BF5;
	[smem:$0x3FB4] =	sst s0  }
0x18: {  	s0 =	sld [smem:$0x3F97];
	_ =	swait.ge [sflag:s4], $0x0  }
0x19: {  	s7 =	sld [smem:$0x3F98]  }
0x1a: {  	s8 =	sadd.s32 $0xFFFFE003, lr  }
0x1b: {  	s9 =	sadd.s32 $0xFFFFFEF7, lr;
	s5 =	simm.s32 $0xFFFFFFFF;
	p2 =	slt.u32 s8, $0xFFFFF086  }
0x1c: {  	p1 =	slt.u32 s9, $0xF7A;
	s5 =	simm.s32 @!p2 $0x0  }
0x1d: {  	s5 =	simm.s32 @p1 $0x1;
	p0 =	seq.s32 s7, s2  }
0x1e: {  	s7 =	smul.u32 @!p0 $0xF7A, s2;
	p2 =	seq.s32 @!p0 s5, $0x0  }
0x1f: {  	s9 =	smul.u32 $0xF7A, s1;
	s8 =	simm.s32 @!p0 $0x1BF5;
	p2 =	por !p2, p0  }
0x20: {  	[sflag:s8] =	ssyncset.s32 @!p0 $0xFFFFF086;
	s6 =	sadd.s32 @!p0 s3, s7;
	s7 =	simm.s32 @!p0 $0x108  }
0x21: {  	s3 =	sadd.s32 s3, s9;
	s6 =	sadd.s32 @!p0 $0x88, s6;
	s7 =	simm.s32 @p2 $0x1082  }
0x22: {  	[simem:s7], [sflag:s8] =	dma.local @!p0 [hbm:s6], $0xF7A  }
0x23: {  	s9 =	sor.u32 $0xD0000000, s2;
	s6 =	simm.s32 $0x108;
	_ =	swait.ge @!p0 [sflag:s8], $0x0  }
0x24: {  	s3 =	sadd.s32 $0x88, s3;
	s6 =	simm.s32 @!p1 $0x1082;
	[sflag:s4] =	ssyncset.s32 $0xFFFFF086  }
0x25: {  	[simem:s6], [sflag:s4] =	dma.local [hbm:s3], $0xF7A  }
0x26: {  	[smem:$0x3F98] =	sst s1;
	(tag) =	ssettag s2;
	_ =	strace s9  }
0x27: {  	s1 =	sld [smem:$0x3FA8]  }
0x28: {  	s2 =	sld [smem:$0x3FA9]  }
0x29: {  	s4 =	sld [smem:$0x3FAB]  }
0x2a: {  	p0 =	seq.s32 s5, $0x0;
	s5 =	sld [smem:$0x3FAC]  }
0x2b: {  	s6 =	sld [smem:$0x3FAD]  }
0x2c: {  	s7 =	sld [smem:$0x3FAE]  }
0x2d: {  	s3 =	simm.s32 $0x108;
	s8 =	sld [smem:$0x3FAF]  }
0x2e: {  	s3 =	simm.s32 @!p0 $0x1082;
	s9 =	sld [smem:$0x3FB0]  }
0x2f: {  	lr =	sadd.s32 s0, s3;
	s0 =	sld [smem:$0x3FA7]  }
0x30: {  	s3 =	sld [smem:$0x3FAA]  }
0x31: {  	[smem:$0x3FB3] =	sst s10  }
0x32: {  	s10 =	sld [smem:$0x3FB1];
	_ =	sdelay $0x3  }
0x33: {  	p0 =	seq.s32 s10, $0x1;
	s10 =	sld [smem:$0x3FB3];
	_ =	sdelay $0x3  }
0x34: {  	[smem:$0x3FB3] =	sst s10  }
0x35: {  	s10 =	sld [smem:$0x3FB2];
	_ =	sdelay $0x3  }
0x36: {  	p1 =	seq.s32 s10, $0x1;
	s10 =	sld [smem:$0x3FB3];
	_ =	sdelay $0x3  }
0x37: {  	[smem:$0x3FB3] =	sst s10  }
0x38: {  	s10 =	sld [smem:$0x3FB4]  }
0x39: {  	_ = 	snop;
	(pc) =	sbr.ind lr, $3  }
0x3a: {  	_ = 	snop  }
0x3b: {  	_ = 	snop  }
0x3c: {  	p2 =	seq.s32 s10, $0x1;
	s10 =	sld [smem:$0x3FB3]  }
0x3d: {  	_ =	shalt  }
0x3e: {  	_ =	shalt  }
0x3f: {  	_ =	shalt  }
0x40: {  	_ =	shalt  }
0x41: {  	_ =	shalt  }
0x42: {  	_ =	shalt  }
0x43: {  	_ =	shalt  }
0x44: {  	_ =	shalt  }
0x45: {  	_ =	shalt  }
0x46: {  	_ =	shalt  }
0x47: {  	_ =	shalt  }
0x48: {  	_ =	shalt  }
0x49: {  	_ =	shalt  }
0x4a: {  	_ =	shalt  }
0x4b: {  	_ =	shalt  }
0x4c: {  	_ =	shalt  }
0x4d: {  	_ =	shalt  }
0x4e: {  	_ =	shalt  }
0x4f: {  	_ =	shalt  }
0x50: {  	_ =	shalt  }
0x51: {  	_ =	shalt  }
0x52: {  	_ =	shalt  }
0x53: {  	_ =	shalt  }
0x54: {  	_ =	shalt  }
0x55: {  	_ =	shalt  }
0x56: {  	_ =	shalt  }
0x57: {  	_ =	shalt  }
0x58: {  	_ =	shalt  }
0x59: {  	_ =	shalt  }
0x5a: {  	_ =	shalt  }
0x5b: {  	_ =	shalt  }
0x5c: {  	_ =	shalt  }
0x5d: {  	_ =	shalt  }
0x5e: {  	_ =	shalt  }
0x5f: {  	_ =	shalt  }
0x60: {  	_ =	shalt  }
0x61: {  	_ =	shalt  }
0x62: {  	_ =	shalt  }
0x63: {  	_ =	shalt  }
0x64: {  	_ =	shalt  }
0x65: {  	_ =	shalt  }
0x66: {  	_ =	shalt  }
0x67: {  	_ =	shalt  }
0x68: {  	_ =	shalt  }
0x69: {  	_ =	shalt  }
0x6a: {  	_ =	shalt  }
0x6b: {  	_ =	shalt  }
0x6c: {  	_ =	shalt  }
0x6d: {  	_ =	shalt  }
0x6e: {  	_ =	shalt  }
0x6f: {  	_ =	shalt  }
0x70: {  	_ =	shalt  }
0x71: {  	_ =	shalt  }
0x72: {  	_ =	shalt  }
0x73: {  	_ =	shalt  }
0x74: {  	_ =	shalt  }
0x75: {  	_ =	shalt  }
0x76: {  	_ =	shalt  }
0x77: {  	_ =	shalt  }
0x78: {  	_ =	shalt  }
0x79: {  	_ =	shalt  }
0x7a: {  	_ =	shalt  }
0x7b: {  	_ =	shalt  }
0x7c: {  	_ =	shalt  }
0x7d: {  	_ =	shalt  }
0x7e: {  	_ =	shalt  }
0x7f: {  	_ =	shalt  }
0x80: {  	_ =	shalt  }
0x81: {  	_ =	shalt  }
0x82: {  	_ =	shalt  }
0x83: {  	_ =	shalt  }
0x84: {  	_ =	shalt  }
0x85: {  	_ =	shalt  }
0x86: {  	_ =	shalt  }
0x87: {  	_ =	shalt  }
.Lfunc_end0:
.L_simem_size_0:
called_computation_lowered:
.L_overlay_start_0:
0x88: {  	s2 =	sld [smem:$0x3FD9]  }
0x89: {  	s3 =	sld [smem:$0x3FFE];
	_ =	sdelay $0x1  }
0x8a: {  	s1 =	srdreg.scid  }
0x8b: {  	s0 =	sand.u32 $0x1, s1  }
0x8c: {  	s16 =	sshll.u32 s0, $0xA;
	s2 =	sadd.s32 s3, s2  }
0x8d: {  	s2 =	sadd.s32 s2, s16  }
0x8e: {  	[smem:$0x3FBF] =	sst s2  }
0x8f: {  	_ = 	snop  }
0x90: {  	(tm) =	ssettm $0x1  }
0x91: {  	s17 =	sld [smem:$0x3FFB];
	_ =	sdelay $0x3  }
0x92: {  	_ =	strace s17  }
0x93: {  	s2 =	sld [smem:$0x3FFC];
	_ =	sdelay $0x3  }
0x94: {  	_ =	strace s2  }
0x95: {  	s2 =	sld [smem:$0x3FFD];
	_ =	sdelay $0x3  }
0x96: {  	_ =	strace s2  }
0x97: {  	_ =	strace $0x8FFFFFFF  }
0x98: {  	s18 =	sld [smem:$0x3FDB];
	_ =	sdelay $0x1  }
0x99: {  	s19 =	simm.s32 $_scs_section_size  }
0x9a: {  	s4 =	simm.s32 $_size__tile_overlayer_lowered;
	s5 =	simm.s32 $_tile_overlayer_lowered  }
0x9b: {  	s22 =	simm.s32 $0x1BFF;
	s21 =	sshll.u32 s5, $0x1;
	s2 =	sadd.s32 s19, s18  }
0x9c: {  	s6 =	simm.s32 $0x0;
	s20 =	sshll.u32 s4, $0x1;
	s4 =	sadd.s32 s21, s2  }
0x9d: {  	[timem:s6], [sflag:s22] =	dma.local [hbm:s4], s20  }
0x9e: {  	_ =	swait.ge [sflag:s22], s20  }
0x9f: {  	s3 =	ssub.s32 $0x0, s20;
	[sflag:s22] =	ssyncset.done $0x0  }
0xa0: {  	[sflag:s22] =	ssyncadd.s32 s3;
	_ =	sdelay $0x1  }
0xa1: {  	s23 =	simm.s32 $0x1B8B  }
0xa2: {  	_ =	swait.ge [sflag:s23], $0x1  }
0xa3: {  	[sflag:s23] =	ssyncset.done $0x0  }
0xa4: {  	s25 =	simm.s32 $0x1B8E;
	s24 =	sld [smem:$0x3FFE];
	[sflag:s23] =	ssyncadd.s32 $0xFFFFFFFF  }
0xa5: {  	s26 =	simm.s32 $execute0_lowered;
	[smem:$0x3FD2] =	sst s25  }
0xa6: {  	s4 =	sshll.u32 s26, $0x1;
	_ =	strace $0x80000046;
	[dreg:$0x1] =	wrdreg $0xFFFFFFFF  }
0xa7: {  	s28 =	simm.s32 $_size_execute0_lowered;
	s2 =	sadd.s32 s2, s4;
	[dreg:$0x0] =	wrdreg $0x0  }
0xa8: {  	s4 =	sshll.u32 s28, $0x1;
	[dreg:$0x2] =	wrdreg s2  }
0xa9: {  	[dreg:$0x3] =	wrdreg s4  }
0xaa: {  	[dreg:$0x4] =	wrdreg $0xC0  }
0xab: {  	_ =	task [dreg:s6], $0x5FFFF  }
0xac: {  	[dreg:$0x1] =	wrdreg $0xFFFFFFFF  }
0xad: {  	[dreg:$0x0] =	wrdreg $0x60  }
0xae: {  	[dreg:$0x2] =	wrdreg s24  }
0xaf: {  	[dreg:$0x3] =	wrdreg $0x9  }
0xb0: {  	_ =	task.clear_ibuf [dreg:s6], $0x4FFFF;
	_ =	strace $0x90000046  }
0xb1: {  	s29 =	simm.s32 $0x9;
	_ =	strace $0x80000048  }
0xb2: {  	_ =	swait.ge [sflag:s29], $0x1  }
0xb3: {  	[sflag:s29] =	ssyncadd.s32 $0xFFFFFFFF  }
0xb4: {  	_ =	strace $0x90000048  }
0xb5: {  	_ =	sfence  }
0xb6: {  	s30 =	sld [smem:$0x0];
	_ =	sdelay $0x2  }
0xb7: {  	s31 =	sshll.u32 s1, $0xD;
	s1 =	sshrl.u32 s1, $0x2  }
0xb8: {  	s3 =	sand.u32 $0x4000, s31;
	s1 =	sadd.s32 s1, s30  }
0xb9: {  	s0 =	sor.u32 s3, s0;
	s1 =	sshll.u32 s1, $0x11  }
0xba: {  	s0 =	sor.u32 s1, s0  }
0xbb: {  	s0 =	sadd.s32 $0x8F2B, s0  }
0xbc: {  	[sflag:s0] =	ssyncadd.remote.s32 $0x1  }
0xbd: {  	_ =	sfence.sel $0xFFFF  }
0xbe: {  	[dreg:$0x0] =	wrdreg $0xFFFFFFFF;
	(pc) =	sbr.abs _section_cstart, $3  }
0xbf: {  	[dreg:$0x1] =	wrdreg $0xFFFFFFFF  }
0xc0: {  	_ =	task.clear_ibuf [dreg:s6], $0x2FFFF;
	_ =	strace $0x9FFFFFFF  }
0xc1: {  	(tm) =	ssettm $0x7FFFFFFF  }
tec
execute0_lowered:
.L_overlay_start_1:
0x0: {  	(tag) =	ssettag $0x1  }
0x1: {  	s2 =	rddreg [dreg:$0x0]  }
0x2: {  	s0 =	rddreg [dreg:$0x1];
	s1 =	simm.s32 $0x0;
	s3 =	srdreg.scid  }
0x3: {  	s8 =	simm.s32 $0x2000;
	s9 =	simm.s32 $0x3000;
	s10 =	simm.s32 $0x4000  }
0x4: {  	s11 =	simm.s32 $0x5000;
	s12 =	simm.s32 $0x6000;
	s13 =	simm.s32 $0x7000  }
0x5: {  	s14 =	simm.s32 $0x1;
	s15 =	simm.s32 $0x8000;
	s16 =	simm.s32 $0x0  }
0x6: {  	s20 =	simm.s32 $0x0;
	[smem:$0x7FF] =	sst s1;
	s5 =	sand.u32 $0x1, s3  }
0x7: {  	s3 =	sadd.s32 $0x1600, s2;
	s4 =	sadd.s32 $0x281600, s2;
	s6 =	ssub.s32 $0x2, s5  }
0x8: {  	s2 =	stileid.u32;
	_ =	strace $0x80000047;
	s7 =	sshrl.u32 s6, $0x1  }
0x9: {  	s31 =	sshll.u32 s2, $0x3;
	s5 =	sshll.u32 s5, $0x2;
	s6 =	ssub.s32 s6, s7  }
0xa: {  	s5 =	sor.u32 s5, s31;
	s7 =	simm.s32 $0x1000;
	s6 =	smax.u32 s6, $0x1  }
.LBB2_1:
0xb: {  	s17 =	simm.s32 $0x0  }
.LBB2_2:
0xc: {  	s19 =	sadd.s32 s5, s17  }
0xd: {  	s18 =	smul.u32 $0x28000, s19  }
0xe: {  	s21 =	simm.s32 $0x0;
	s19 =	smul.u32 $0x1F400, s19  }
.LBB2_3:
0xf: {  	s22 =	sshll.u32 s21, $0xF  }
0x10: {  	s22 =	sadd.s32 s18, s22  }
0x11: {  	s22 =	sshrl.u32 s22, $0x3  }
0x12: {  	s22 =	sadd.s32 s3, s22  }
0x13: {  	[tilespmem:s20], [sflag:$0x1] =	stream.linear.gather [hbm4b:s22+s20], $0xC80, $0x38;
	[tilespmem:$0xE400] =	vst v63  }
0x14: {  	s23 =	sadd.s32 $0x200, s22  }
0x15: {  	[tilespmem:s7], [sflag:$0x1] =	stream.linear.gather [hbm4b:s23+s20], $0xC80, $0x38;
	[tilespmem:$0xE400] =	vst v63  }
0x16: {  	s26 =	sadd.s32 $0x400, s22  }
0x17: {  	[tilespmem:s8], [sflag:$0x1] =	stream.linear.gather [hbm4b:s26+s20], $0xC80, $0x38;
	[tilespmem:$0xE400] =	vst v63  }
0x18: {  	s28 =	sadd.s32 $0x600, s22  }
0x19: {  	[tilespmem:s9], [sflag:$0x1] =	stream.linear.gather [hbm4b:s28+s20], $0xC80, $0x38;
	[tilespmem:$0xE400] =	vst v63  }
0x1a: {  	s29 =	sadd.s32 $0x800, s22  }
0x1b: {  	[tilespmem:s10], [sflag:$0x1] =	stream.linear.gather [hbm4b:s29+s20], $0xC80, $0x38;
	[tilespmem:$0xE400] =	vst v63  }
0x1c: {  	s30 =	sadd.s32 $0xA00, s22  }
0x1d: {  	[tilespmem:s11], [sflag:$0x1] =	stream.linear.gather [hbm4b:s30+s20], $0xC80, $0x38;
	[tilespmem:$0xE400] =	vst v63  }
0x1e: {  	s31 =	sadd.s32 $0xC00, s22  }
0x1f: {  	[tilespmem:s12], [sflag:$0x1] =	stream.linear.gather [hbm4b:s31+s20], $0xC80, $0x38;
	[tilespmem:$0xE400] =	vst v63  }
0x20: {  	s22 =	sadd.s32 $0xE00, s22  }
0x21: {  	[tilespmem:s13], [sflag:$0x1] =	stream.linear.gather [hbm4b:s22+s20], $0xC80, $0x38;
	[tilespmem:$0xE400] =	vst v63  }
0x22: {  	_ =	swait.ge [sflag:s14], $0x6400  }
0x23: {  	[sflag:s14] =	ssyncset.done $0x0  }
0x24: {  	s22 =	simm.s32 $0x0;
	[sflag:s14] =	ssyncadd.s32 $0xFFFF9C00  }
0x25: {  	v0 =	vld [tilespmem:s22+$0x7030]  }
0x26: {  	v1 =	vld [tilespmem:s22+$0x0];
	_ =	sdelay $0x1  }
0x27: {  	v2 =	vld [tilespmem:s22+$0x10]  }
0x28: {  	v3 =	vld [tilespmem:s22+$0x20]  }
0x29: {  	v4 =	vld [tilespmem:s22+$0x30];
	v0 =	vmul.f32 $9.999999770e-03, v0  }
0x2a: {  	v5 =	vld [tilespmem:s22+$0x1000];
	v1 =	vmul.f32 $9.999999770e-03, v1  }
0x2b: {  	v6 =	vld [tilespmem:s22+$0x1010];
	[tilespmem:s22+$0xD7B0] =	vst v0  }
0x2c: {  	v0 =	vmul.f32 $9.999999770e-03, v2;
	[tilespmem:s22+$0x8000] =	vst v1;
	v1 =	vld [tilespmem:s22+$0x1030]  }
0x2d: {  	v7 =	vld [tilespmem:s22+$0x1020];
	v2 =	vmul.f32 $9.999999770e-03, v3  }
0x2e: {  	v3 =	vmul.f32 $9.999999770e-03, v4;
	[tilespmem:s22+$0x8010] =	vst v0;
	v0 =	vld [tilespmem:s22+$0x2000]  }
0x2f: {  	v4 =	vmul.f32 $9.999999770e-03, v5;
	[tilespmem:s22+$0x8020] =	vst v2;
	v2 =	vld [tilespmem:s22+$0x2010]  }
0x30: {  	v5 =	vmul.f32 $9.999999770e-03, v6;
	[tilespmem:s22+$0x8030] =	vst v3;
	v3 =	vld [tilespmem:s22+$0x2020]  }
0x31: {  	[tilespmem:s22+$0x8C80] =	vst v4;
	v4 =	vld [tilespmem:s22+$0x2030];
	v1 =	vmul.f32 $9.999999770e-03, v1  }
0x32: {  	v6 =	vmul.f32 $9.999999770e-03, v7;
	[tilespmem:s22+$0x8C90] =	vst v5;
	v5 =	vld [tilespmem:s22+$0x3000]  }
0x33: {  	v0 =	vmul.f32 $9.999999770e-03, v0;
	[tilespmem:s22+$0x8CB0] =	vst v1;
	v1 =	vld [tilespmem:s22+$0x3020]  }
0x34: {  	[tilespmem:s22+$0x8CA0] =	vst v6;
	v6 =	vld [tilespmem:s22+$0x3010];
	v2 =	vmul.f32 $9.999999770e-03, v2  }
0x35: {  	v3 =	vmul.f32 $9.999999770e-03, v3;
	[tilespmem:s22+$0x9900] =	vst v0;
	v0 =	vld [tilespmem:s22+$0x3030]  }
0x36: {  	v4 =	vmul.f32 $9.999999770e-03, v4;
	[tilespmem:s22+$0x9910] =	vst v2;
	v2 =	vld [tilespmem:s22+$0x4000]  }
0x37: {  	v5 =	vmul.f32 $9.999999770e-03, v5;
	[tilespmem:s22+$0x9920] =	vst v3;
	v3 =	vld [tilespmem:s22+$0x4010]  }
0x38: {  	[tilespmem:s22+$0x9930] =	vst v4;
	v4 =	vld [tilespmem:s22+$0x4020];
	v1 =	vmul.f32 $9.999999770e-03, v1  }
0x39: {  	v6 =	vmul.f32 $9.999999770e-03, v6;
	[tilespmem:s22+$0xA580] =	vst v5;
	v5 =	vld [tilespmem:s22+$0x4030]  }
0x3a: {  	v0 =	vmul.f32 $9.999999770e-03, v0;
	[tilespmem:s22+$0xA5A0] =	vst v1;
	v1 =	vld [tilespmem:s22+$0x5010]  }
0x3b: {  	[tilespmem:s22+$0xA590] =	vst v6;
	v6 =	vld [tilespmem:s22+$0x5000];
	v2 =	vmul.f32 $9.999999770e-03, v2  }
0x3c: {  	[tilespmem:s22+$0xA5B0] =	vst v0;
	v0 =	vmul.f32 $9.999999770e-03, v3;
	v3 =	vld [tilespmem:s22+$0x5030]  }
0x3d: {  	v7 =	vld [tilespmem:s22+$0x5020];
	[tilespmem:s22+$0xB200] =	vst v2;
	v2 =	vmul.f32 $9.999999770e-03, v4  }
0x3e: {  	v4 =	vld [tilespmem:s22+$0x6000];
	[tilespmem:s22+$0xB210] =	vst v0;
	v0 =	vmul.f32 $9.999999770e-03, v5  }
0x3f: {  	v8 =	vld [tilespmem:s22+$0x6010];
	[tilespmem:s22+$0xB220] =	vst v2;
	v5 =	vmul.f32 $9.999999770e-03, v1  }
0x40: {  	v2 =	vmul.f32 $9.999999770e-03, v6;
	[tilespmem:s22+$0xB230] =	vst v0;
	v0 =	vld [tilespmem:s22+$0x6020]  }
0x41: {  	v1 =	vld [tilespmem:s22+$0x6030];
	[tilespmem:s22+$0xBE90] =	vst v5;
	v5 =	vmul.f32 $9.999999770e-03, v3  }
0x42: {  	v6 =	vmul.f32 $9.999999770e-03, v7;
	[tilespmem:s22+$0xBE80] =	vst v2;
	v2 =	vld [tilespmem:s22+$0x7000]  }
0x43: {  	v3 =	vld [tilespmem:s22+$0x7010];
	[tilespmem:s22+$0xBEB0] =	vst v5;
	v5 =	vmul.f32 $9.999999770e-03, v4  }
0x44: {  	s24 =	simm.s32 $0x400;
	s23 =	simm.s32 $0x80;
	[tilespmem:s22+$0xBEA0] =	vst v6;
	v6 =	vmul.f32 $9.999999770e-03, v8;
	v4 =	vld [tilespmem:s22+$0x7020]  }
.LBB2_4:
0x45: {  	p0 =	sne.s32 s24, $0x3000;
	v7 =	vld [tilespmem:s23+$0x7030];
	[tilespmem:s22+$0xCB00] =	vst v5;
	v0 =	vmul.f32 $9.999999770e-03, v0  }
0x46: {  	v5 =	vld [tilespmem:s23+$0x0];
	[tilespmem:s22+$0xCB10] =	vst v6;
	v1 =	vmul.f32 $9.999999770e-03, v1  }
0x47: {  	v6 =	vld [tilespmem:s23+$0x10];
	[tilespmem:s22+$0xCB20] =	vst v0;
	v0 =	vmul.f32 $9.999999770e-03, v2  }
0x48: {  	v2 =	vld [tilespmem:s23+$0x20];
	[tilespmem:s22+$0xCB30] =	vst v1;
	v1 =	vmul.f32 $9.999999770e-03, v3  }
0x49: {  	v3 =	vld [tilespmem:s23+$0x30];
	[tilespmem:s22+$0xD780] =	vst v0;
	v0 =	vmul.f32 $9.999999770e-03, v4  }
0x4a: {  	v4 =	vld [tilespmem:s23+$0x1000];
	v7 =	vmul.f32 $9.999999770e-03, v7;
	[tilespmem:s22+$0xD790] =	vst v1  }
0x4b: {  	v1 =	vmul.f32 $9.999999770e-03, v5;
	v5 =	vld [tilespmem:s23+$0x1010];
	[tilespmem:s22+$0xD7A0] =	vst v0;
	s22 =	smov.u32 s23  }
0x4c: {  	v0 =	vmul.f32 $9.999999770e-03, v6;
	v6 =	vld [tilespmem:s22+$0x1020];
	[tilespmem:s22+$0xD7B0] =	vst v7  }
0x4d: {  	[tilespmem:s22+$0x8000] =	vst v1;
	v1 =	vmul.f32 $9.999999770e-03, v2;
	v2 =	vld [tilespmem:s22+$0x1030]  }
0x4e: {  	[tilespmem:s22+$0x8010] =	vst v0;
	v0 =	vmul.f32 $9.999999770e-03, v3;
	v3 =	vld [tilespmem:s22+$0x2000]  }
0x4f: {  	[tilespmem:s22+$0x8020] =	vst v1;
	v1 =	vmul.f32 $9.999999770e-03, v4;
	v4 =	vld [tilespmem:s22+$0x2010]  }
0x50: {  	[tilespmem:s22+$0x8030] =	vst v0;
	v0 =	vmul.f32 $9.999999770e-03, v5;
	v5 =	vld [tilespmem:s22+$0x2020]  }
0x51: {  	[tilespmem:s22+$0x8C80] =	vst v1;
	v1 =	vmul.f32 $9.999999770e-03, v6;
	v6 =	vld [tilespmem:s22+$0x2030]  }
0x52: {  	[tilespmem:s22+$0x8C90] =	vst v0;
	v0 =	vmul.f32 $9.999999770e-03, v2;
	v2 =	vld [tilespmem:s22+$0x3000]  }
0x53: {  	[tilespmem:s22+$0x8CA0] =	vst v1;
	v1 =	vmul.f32 $9.999999770e-03, v3;
	v3 =	vld [tilespmem:s22+$0x3010]  }
0x54: {  	[tilespmem:s22+$0x8CB0] =	vst v0;
	v0 =	vmul.f32 $9.999999770e-03, v4;
	v4 =	vld [tilespmem:s22+$0x3020]  }
0x55: {  	[tilespmem:s22+$0x9900] =	vst v1;
	v1 =	vmul.f32 $9.999999770e-03, v5;
	v5 =	vld [tilespmem:s22+$0x3030]  }
0x56: {  	[tilespmem:s22+$0x9910] =	vst v0;
	v0 =	vmul.f32 $9.999999770e-03, v6;
	v6 =	vld [tilespmem:s22+$0x4000]  }
0x57: {  	[tilespmem:s22+$0x9920] =	vst v1;
	v1 =	vmul.f32 $9.999999770e-03, v2;
	v2 =	vld [tilespmem:s22+$0x4010]  }
0x58: {  	[tilespmem:s22+$0x9930] =	vst v0;
	v0 =	vmul.f32 $9.999999770e-03, v3;
	v3 =	vld [tilespmem:s22+$0x4020]  }
0x59: {  	[tilespmem:s22+$0xA580] =	vst v1;
	v1 =	vmul.f32 $9.999999770e-03, v4;
	v4 =	vld [tilespmem:s22+$0x4030]  }
0x5a: {  	[tilespmem:s22+$0xA590] =	vst v0;
	v0 =	vmul.f32 $9.999999770e-03, v5;
	v5 =	vld [tilespmem:s22+$0x5000]  }
0x5b: {  	[tilespmem:s22+$0xA5A0] =	vst v1;
	v1 =	vmul.f32 $9.999999770e-03, v6;
	v6 =	vld [tilespmem:s22+$0x5010]  }
0x5c: {  	[tilespmem:s22+$0xA5B0] =	vst v0;
	v0 =	vmul.f32 $9.999999770e-03, v2;
	v2 =	vld [tilespmem:s22+$0x5020]  }
0x5d: {  	[tilespmem:s22+$0xB200] =	vst v1;
	v1 =	vmul.f32 $9.999999770e-03, v3;
	v3 =	vld [tilespmem:s22+$0x5030]  }
0x5e: {  	[tilespmem:s22+$0xB210] =	vst v0;
	v0 =	vmul.f32 $9.999999770e-03, v4;
	v4 =	vld [tilespmem:s22+$0x6000]  }
0x5f: {  	[tilespmem:s22+$0xB220] =	vst v1;
	v1 =	vmul.f32 $9.999999770e-03, v5;
	v7 =	vld [tilespmem:s22+$0x6010]  }
.Ltmp0:
0x60: {  	[tilespmem:s22+$0xB230] =	vst v0;
	v5 =	vmul.f32 $9.999999770e-03, v6;
	v0 =	vld [tilespmem:s22+$0x6020];
	(pc) =	sbr.rel @p0 .LBB2_4-.Ltmp0, $4  }
0x61: {  	[tilespmem:s22+$0xBE80] =	vst v1;
	v6 =	vmul.f32 $9.999999770e-03, v2;
	v1 =	vld [tilespmem:s22+$0x6030]  }
0x62: {  	[tilespmem:s22+$0xBE90] =	vst v5;
	v8 =	vmul.f32 $9.999999770e-03, v3;
	v2 =	vld [tilespmem:s22+$0x7000]  }
0x63: {  	[tilespmem:s22+$0xBEA0] =	vst v6;
	v5 =	vmul.f32 $9.999999770e-03, v4;
	v3 =	vld [tilespmem:s22+$0x7010]  }
0x64: {  	s23 =	sshra.s32 s24, $0x2;
	s24 =	sadd.s32 $0x200, s24;
	[tilespmem:s22+$0xBEB0] =	vst v8;
	v6 =	vmul.f32 $9.999999770e-03, v7;
	v4 =	vld [tilespmem:s22+$0x7020]  }
0x65: {  	v7 =	vld [tilespmem:s23+$0x7030];
	[tilespmem:s22+$0xCB00] =	vst v5;
	v0 =	vmul.f32 $9.999999770e-03, v0  }
0x66: {  	v5 =	vld [tilespmem:s23+$0x0];
	[tilespmem:s22+$0xCB10] =	vst v6;
	v1 =	vmul.f32 $9.999999770e-03, v1  }
0x67: {  	v6 =	vld [tilespmem:s23+$0x10];
	[tilespmem:s22+$0xCB20] =	vst v0;
	v2 =	vmul.f32 $9.999999770e-03, v2  }
0x68: {  	v0 =	vld [tilespmem:s23+$0x20];
	[tilespmem:s22+$0xCB30] =	vst v1;
	v3 =	vmul.f32 $9.999999770e-03, v3  }
0x69: {  	v1 =	vld [tilespmem:s23+$0x30];
	[tilespmem:s22+$0xD780] =	vst v2;
	v4 =	vmul.f32 $9.999999770e-03, v4  }
0x6a: {  	v2 =	vld [tilespmem:s23+$0x1000];
	[tilespmem:s22+$0xD790] =	vst v3;
	v7 =	vmul.f32 $9.999999770e-03, v7  }
0x6b: {  	v3 =	vld [tilespmem:s23+$0x1010];
	[tilespmem:s22+$0xD7A0] =	vst v4;
	v32 =	vmul.f32 $9.999999770e-03, v5  }
0x6c: {  	v33 =	vld [tilespmem:s23+$0x1020];
	[tilespmem:s23+$0xD7B0] =	vst v7;
	v6 =	vmul.f32 $9.999999770e-03, v6  }
0x6d: {  	v34 =	vld [tilespmem:s23+$0x1030];
	[tilespmem:s23+$0x8000] =	vst v32;
	v0 =	vmul.f32 $9.999999770e-03, v0  }
0x6e: {  	v35 =	vld [tilespmem:s23+$0x2000];
	[tilespmem:s23+$0x8010] =	vst v6;
	v1 =	vmul.f32 $9.999999770e-03, v1  }
0x6f: {  	v36 =	vld [tilespmem:s23+$0x2010];
	[tilespmem:s23+$0x8020] =	vst v0;
	v2 =	vmul.f32 $9.999999770e-03, v2  }
0x70: {  	v37 =	vld [tilespmem:s23+$0x2020];
	[tilespmem:s23+$0x8030] =	vst v1;
	v3 =	vmul.f32 $9.999999770e-03, v3  }
0x71: {  	v38 =	vld [tilespmem:s23+$0x2030];
	[tilespmem:s23+$0x8C80] =	vst v2;
	v5 =	vmul.f32 $9.999999770e-03, v33  }
0x72: {  	v52 =	vld [tilespmem:s23+$0x6010];
	v4 =	vmul.f32 $9.999999770e-03, v34;
	[tilespmem:s23+$0x8C90] =	vst v3  }
0x73: {  	v53 =	vld [tilespmem:s23+$0x6020];
	v6 =	vmul.f32 $9.999999770e-03, v35;
	[tilespmem:s23+$0x8CA0] =	vst v5  }
0x74: {  	v54 =	vld [tilespmem:s23+$0x6030];
	v0 =	vmul.f32 $9.999999770e-03, v36;
	[tilespmem:s23+$0x8CB0] =	vst v4  }
0x75: {  	v55 =	vld [tilespmem:s23+$0x7000];
	v1 =	vmul.f32 $9.999999770e-03, v37;
	[tilespmem:s23+$0x9900] =	vst v6  }
0x76: {  	v56 =	vld [tilespmem:s23+$0x7010];
	v2 =	vmul.f32 $9.999999770e-03, v38;
	[tilespmem:s23+$0x9910] =	vst v0  }
0x77: {  	v58 =	vld [tilespmem:s23+$0x7020];
	v57 =	vmul.f32 $9.999999770e-03, v52;
	[tilespmem:s23+$0x9920] =	vst v1  }
0x78: {  	v39 =	vld [tilespmem:s23+$0x3000];
	v59 =	vmul.f32 $9.999999770e-03, v53;
	[tilespmem:s23+$0x9930] =	vst v2  }
0x79: {  	v40 =	vld [tilespmem:s23+$0x3010];
	v60 =	vmul.f32 $9.999999770e-03, v54;
	[tilespmem:s23+$0xCB10] =	vst v57  }
0x7a: {  	v41 =	vld [tilespmem:s23+$0x3020];
	v61 =	vmul.f32 $9.999999770e-03, v55;
	[tilespmem:s23+$0xCB20] =	vst v59  }
0x7b: {  	v42 =	vld [tilespmem:s23+$0x3030];
	v62 =	vmul.f32 $9.999999770e-03, v56;
	[tilespmem:s23+$0xCB30] =	vst v60  }
0x7c: {  	v43 =	vld [tilespmem:s23+$0x4000];
	v63 =	vmul.f32 $9.999999770e-03, v58;
	[tilespmem:s23+$0xD780] =	vst v61  }
0x7d: {  	v44 =	vld [tilespmem:s23+$0x4010];
	v3 =	vmul.f32 $9.999999770e-03, v39;
	[tilespmem:s23+$0xD790] =	vst v62  }
0x7e: {  	v45 =	vld [tilespmem:s23+$0x4020];
	v5 =	vmul.f32 $9.999999770e-03, v40;
	[tilespmem:s23+$0xD7A0] =	vst v63  }
0x7f: {  	v46 =	vld [tilespmem:s23+$0x4030];
	v4 =	vmul.f32 $9.999999770e-03, v41;
	[tilespmem:s23+$0xA580] =	vst v3  }
0x80: {  	v47 =	vld [tilespmem:s23+$0x5000];
	v6 =	vmul.f32 $9.999999770e-03, v42;
	[tilespmem:s23+$0xA590] =	vst v5  }
0x81: {  	v48 =	vld [tilespmem:s23+$0x5010];
	v0 =	vmul.f32 $9.999999770e-03, v43;
	[tilespmem:s23+$0xA5A0] =	vst v4  }
0x82: {  	v49 =	vld [tilespmem:s23+$0x5020];
	v1 =	vmul.f32 $9.999999770e-03, v44;
	[tilespmem:s23+$0xA5B0] =	vst v6  }
0x83: {  	v50 =	vld [tilespmem:s23+$0x5030];
	v2 =	vmul.f32 $9.999999770e-03, v45;
	[tilespmem:s23+$0xB200] =	vst v0  }
0x84: {  	v51 =	vld [tilespmem:s23+$0x6000];
	v3 =	vmul.f32 $9.999999770e-03, v46;
	[tilespmem:s23+$0xB210] =	vst v1  }
0x85: {  	[tilespmem:s23+$0xB220] =	vst v2;
	v5 =	vmul.f32 $9.999999770e-03, v47  }
0x86: {  	v4 =	vmul.f32 $9.999999770e-03, v48;
	[tilespmem:s23+$0xB230] =	vst v3  }
0x87: {  	s31 =	smul.u32 $0x6400, s21;
	v6 =	vmul.f32 $9.999999770e-03, v49;
	[tilespmem:s23+$0xBE80] =	vst v5  }
0x88: {  	v0 =	vmul.f32 $9.999999770e-03, v50;
	[tilespmem:s23+$0xBE90] =	vst v4  }
0x89: {  	s21 =	sadd.s32 $0x1, s21;
	s22 =	sadd.s32 s19, s31;
	v1 =	vmul.f32 $9.999999770e-03, v51;
	[tilespmem:s23+$0xBEA0] =	vst v6  }
0x8a: {  	p0 =	sne.s32 s21, $0x5;
	s22 =	sshrl.u32 s22, $0x3;
	[tilespmem:s23+$0xBEB0] =	vst v0  }
.Ltmp1:
0x8b: {  	s22 =	sadd.s32 s4, s22;
	[tilespmem:s23+$0xCB00] =	vst v1;
	(pc) =	sbr.rel @p0 .LBB2_3-.Ltmp1, $4  }
0x8c: {  	[hbm4b:s22+s1] =	stream.linear.scatter [tilespmem:s15], [sflag:$0x1], $0x6400, $0x38;
	[tilespmem:$0xE400] =	vst v63  }
0x8d: {  	_ =	swait.ge [sflag:s14], $0x6400  }
0x8e: {  	[sflag:s14] =	ssyncset.done $0x0  }
0x8f: {  	[sflag:s14] =	ssyncadd.s32 $0xFFFF9C00  }
0x90: {  	s17 =	sadd.s32 $0x1, s17  }
0x91: {  	p0 =	sne.s32 s17, $0x4  }
.Ltmp2:
0x92: {  	_ = 	snop;
	(pc) =	sbr.rel @p0 .LBB2_2-.Ltmp2, $1  }
0x93: {  	_ =	sdelay $0x3  }
0x94: {  	s16 =	sadd.s32 $0x1, s16  }
0x95: {  	p0 =	sne.s32 s16, s6  }
.Ltmp3:
0x96: {  	_ = 	snop;
	(pc) =	sbr.rel @p0 .LBB2_1-.Ltmp3, $1  }
0x97: {  	_ =	sdelay $0x3  }
0x98: {  	_ =	sfence.sel $0x180000  }
0x99: {  	[bflag:$0x0] =	sbarrier.arrive $0xFFFF  }
0x9a: {  	p0 =	sne.s32 s2, $0x0;
	_ =	strace $0x90000047  }
0x9b: {  	s0 =	sadd.s32 @!p0 $0x100000, s0;
	[bflag:$0x2] =	sbarrier.arrive $0xFFFF  }
0x9c: {  	[sflag:s0] =	ssyncadd.tile.s32 @!p0 $0x1;
	_ =	shalt  }
.Lfunc_end2:
_tile_overlayer_lowered:
.L_overlay_start_2:
0x9d: {  	(tag) =	ssettag $0x2  }
0x9e: {  	s0 =	rddreg [dreg:$0x0];
	s2 =	stileid.u32  }
0x9f: {  	s1 =	rddreg [dreg:$0x1];
	p0 =	sne.s32 s2, $0x0  }
0xa0: {  	s3 =	rddreg [dreg:$0x2];
	[bflag:$0x3] =	sbarrier.arrive $0xFFFF;
	s2 =	simm.s32 @!p0 $0x1C01  }
0xa1: {  	[timem:s3], [sflag:s2] =	dma.local @!p0 [hbm:s0], s1  }
0xa2: {  	s0 =	simm.s32 @!p0 $0x1  }
0xa3: {  	_ =	swait.ge @!p0 [sflag:s0], s1  }
0xa4: {  	s1 =	ssub.s32 @!p0 $0x0, s1;
	[sflag:s0] =	ssyncset.done @!p0 $0x0  }
0xa5: {  	[sflag:s0] =	ssyncadd.s32 @!p0 s1  }
0xa6: {  	[bflag:$0x3] =	sbarrier.arrive $0xFFFF  }
0xa7: {  	_ =	shalt  }

</sc_bundles>
